<compile_context>
chip_gen: v7x
topology: tpu7x:2x2x1
jax: 0.10.2.dev20260603
libtpu: 0.0.44.dev20260713+nightly
codegen_flags: <defaults>
</compile_context>

<pallas_src>
import functools

import jax
import jax.numpy as jnp
from jax import lax
from jax.experimental import pallas as pl
from jax.experimental.pallas import tpu as pltpu
from jax.experimental.pallas import tpu_sc as plsc

_info = plsc.get_sparse_core_info()
_NC = _info.num_cores
_NS = _info.num_subcores
_LANES = _info.num_lanes
_NW = _NC * _NS

_H0 = 104


def _emb_body(seq_per_w, seq_len, embed_dim,
              ids_hbm, tok_hbm, pos_hbm, out_hbm,
              pos_v, idx_v, rows0, rows1, rows2, rows3,
              gsem0, gsem1, gsem2, gsem3, ssem0, ssem1, ssem2, ssem3):
    wid = lax.axis_index("s") * _NC + lax.axis_index("c")
    wbase = wid * seq_per_w

    pltpu.sync_copy(pos_hbm.at[pl.ds(0, seq_len)], pos_v)
    pltpu.sync_copy(ids_hbm.at[pl.ds(wbase * seq_len, seq_per_w * seq_len)],
                    idx_v)

    bufs = ((rows0, gsem0, ssem0), (rows1, gsem1, ssem1),
            (rows2, gsem2, ssem2), (rows3, gsem3, ssem3))
    halves = (( 0, _H0), (_H0, seq_len - _H0))
    n_half = 2 * seq_per_w

    def g_desc(h, k):
        off, size = halves[k % 2]
        idx_off = (h // 2) * seq_len + off
        return pltpu.make_async_copy(
            tok_hbm.at[idx_v.at[pl.ds(idx_off, size)]],
            bufs[k][0].at[pl.ds(0, size)], bufs[k][1])

    def s_desc(h, k):
        off, size = halves[k % 2]
        out_off = (wbase + h // 2) * seq_len + off
        return pltpu.make_async_copy(bufs[k][0].at[pl.ds(0, size)],
                                     out_hbm.at[pl.ds(out_off, size)],
                                     bufs[k][2])

    def add_pos(k):
        off, size = halves[k % 2]
        buf = bufs[k][0]

        def add_row(r, carry):
            for c in range(embed_dim // _LANES):
                plsc.addupdate(buf.at[r, pl.ds(c * _LANES, _LANES)],
                               pos_v[off + r, pl.ds(c * _LANES, _LANES)])
            return carry
        lax.fori_loop(0, size, add_row, 0)

    def step(h, k):
        @pl.when(h >= 2)
        def _():
            s_desc(h - 2, (k + 2) % 4).wait()
        @pl.when(h + 2 < n_half)
        def _():
            g_desc(h + 2, (k + 2) % 4).start()
        g_desc(h, k).wait()
        add_pos(k)
        s_desc(h, k).start()

    g_desc(0, 0).start()
    g_desc(1, 1).start()

    def round4(t, carry):
        for k in range(4):
            step(4 * t + k, k)
        return carry

    lax.fori_loop(0, n_half // 4, round4, 0)
    s_desc(n_half - 2, 2).wait()
    s_desc(n_half - 1, 3).wait()


def kernel(input_ids, token_table, pos_table):
    batch, seq_len = input_ids.shape
    vocab, embed_dim = token_table.shape
    seq_per_w = batch // _NW

    ids_flat = input_ids.reshape(-1).astype(jnp.int32)

    mesh = plsc.VectorSubcoreMesh(core_axis_name="c", subcore_axis_name="s")
    body = functools.partial(_emb_body, seq_per_w, seq_len, embed_dim)
    out = pl.kernel(
        body,
        out_type=jax.ShapeDtypeStruct((batch * seq_len, embed_dim),
                                      jnp.float32),
        mesh=mesh,
        scratch_types=[
            pltpu.VMEM((seq_len, embed_dim), jnp.float32),
            pltpu.VMEM((seq_per_w * seq_len,), jnp.int32),
            pltpu.VMEM((_H0, embed_dim), jnp.float32),
            pltpu.VMEM((_H0, embed_dim), jnp.float32),
            pltpu.VMEM((_H0, embed_dim), jnp.float32),
            pltpu.VMEM((_H0, embed_dim), jnp.float32),
            pltpu.SemaphoreType.DMA,
            pltpu.SemaphoreType.DMA,
            pltpu.SemaphoreType.DMA,
            pltpu.SemaphoreType.DMA,
            pltpu.SemaphoreType.DMA,
            pltpu.SemaphoreType.DMA,
            pltpu.SemaphoreType.DMA,
            pltpu.SemaphoreType.DMA,
        ],
    )(ids_flat, token_table, pos_table)
    return out.reshape(batch, seq_len, embed_dim)

# --- scband reference (transcript-rebuilt; emitter-appended) ---
"""Pipeline reference for scband-embedding-layer-30107720745812 (READ-ONLY COPY).

The authoritative reference and input builder live on the scoring server;
editing this copy changes nothing except your own understanding.
"""

import jax, jax.numpy as jnp
import numpy as np

VOCAB_SIZE = 100000
EMBED_DIM = 128
MAX_SEQ = 2048
BATCH = 4096
SEQ_LEN = 200


def setup_inputs(seed: int = 0) -> dict:
    key = jax.random.key(seed)
    k1, k2, k3 = jax.random.split(key, 3)
    input_ids = jax.random.randint(k1, (BATCH, SEQ_LEN), 0, VOCAB_SIZE, dtype=jnp.int64 if jax.config.jax_enable_x64 else jnp.int32)
    token_table = jax.random.normal(k2, (VOCAB_SIZE, EMBED_DIM), dtype=jnp.float32) * 0.02
    pos_table = jax.random.normal(k3, (MAX_SEQ, EMBED_DIM), dtype=jnp.float32) * 0.02
    return {"input_ids": input_ids, "token_table": token_table, "pos_table": pos_table}


def reference(input_ids, token_table, pos_table):
    # token embedding lookup: gather rows of token_table by input_ids
    tok = jnp.take(token_table, input_ids, axis=0)  # [B, S, D]
    # learned positional embedding for positions 0..seq_len-1
    seq_len = input_ids.shape[-1]
    pos_ids = jnp.arange(0, seq_len, dtype=input_ids.dtype)
    pos = jnp.take(pos_table, pos_ids, axis=0)  # [S, D]
    return tok + pos  # broadcast over batch

if __name__ == "__main__":
    import jax
    _d = setup_inputs()
    print(jax.jit(kernel)(*tuple(_d.values())))

</pallas_src>

<mosaic_0001>
#map = affine_map<(d0, d1) -> (0)>
#map1 = affine_map<(d0, d1) -> (0, 0)>
module attributes {stable_mosaic.version = 14 : i64} {
  func.func @_emb_body(%arg0: i32, %arg1: i32, %arg2: memref<819200xi32, #tpu.memory_space<hbm>>, %arg3: memref<100000x128xf32, #tpu.memory_space<hbm>>, %arg4: memref<2048x128xf32, #tpu.memory_space<hbm>>, %arg5: memref<819200x128xf32, #tpu.memory_space<hbm>>, %arg6: memref<200x128xf32, #tpu.memory_space<vmem>>, %arg7: memref<25600xi32, #tpu.memory_space<vmem>>, %arg8: memref<104x128xf32, #tpu.memory_space<vmem>>, %arg9: memref<104x128xf32, #tpu.memory_space<vmem>>, %arg10: memref<104x128xf32, #tpu.memory_space<vmem>>, %arg11: memref<104x128xf32, #tpu.memory_space<vmem>>, %arg12: memref<!tpu.dma_semaphore, #tpu.memory_space<semaphore_mem>>, %arg13: memref<!tpu.dma_semaphore, #tpu.memory_space<semaphore_mem>>, %arg14: memref<!tpu.dma_semaphore, #tpu.memory_space<semaphore_mem>>, %arg15: memref<!tpu.dma_semaphore, #tpu.memory_space<semaphore_mem>>, %arg16: memref<!tpu.dma_semaphore, #tpu.memory_space<semaphore_mem>>, %arg17: memref<!tpu.dma_semaphore, #tpu.memory_space<semaphore_mem>>, %arg18: memref<!tpu.dma_semaphore, #tpu.memory_space<semaphore_mem>>, %arg19: memref<!tpu.dma_semaphore, #tpu.memory_space<semaphore_mem>>) attributes {dimension_semantics = [#tpu.dimension_semantics<core_parallel>, #tpu.dimension_semantics<subcore_parallel>], iteration_bounds = array<i64: 2, 16>, scalar_prefetch = 0 : i64, scratch_operands = 14 : i64, tpu.core_type = #tpu.core_type<sc_vector_subcore>, window_params = [{transform_indices = #map}, {transform_indices = #map1}, {transform_indices = #map1}, {transform_indices = #map1}]} {
    %mul3A = arith.constant 2 : i32
    %mul3A_0 = arith.muli %arg1, %mul3A : i32
    %add3A = arith.addi %mul3A_0, %arg0 : i32
    %mul3A_1 = arith.constant 128 : i32
    %mul3A_2 = arith.muli %add3A, %mul3A_1 : i32
    "tpu.region"() ({
      %run_scoped3A = tpu.sem_alloc : memref<!tpu.dma_semaphore, #tpu.memory_space<semaphore_mem>>
      %dma_start3A_56 = arith.constant 0 : i32
      %dma_start3A_57 = arith.constant 0 : i32
      %dma_start3A_58 = tpu.memref_slice %arg4[%dma_start3A_56, %dma_start3A_57] : memref<2048x128xf32, #tpu.memory_space<hbm>> -> memref<200x128xf32, #tpu.memory_space<hbm>>
      %dma_start3A_59 = arith.constant 0 : i32
      %dma_start3A_60 = arith.constant 0 : i32
      %dma_start3A_61 = tpu.memref_slice %arg4[%dma_start3A_59, %dma_start3A_60] : memref<2048x128xf32, #tpu.memory_space<hbm>> -> memref<200x128xf32, #tpu.memory_space<hbm>>
      tpu.enqueue_dma source(%dma_start3A_61 : memref<200x128xf32, #tpu.memory_space<hbm>>) target(%arg6 : memref<200x128xf32, #tpu.memory_space<vmem>>) target_semaphore(%run_scoped3A : memref<!tpu.dma_semaphore, #tpu.memory_space<semaphore_mem>>)
      %dma_wait3A_62 = arith.constant 0 : i32
      %dma_wait3A_63 = arith.constant 0 : i32
      %dma_wait3A_64 = tpu.memref_slice %arg4[%dma_wait3A_62, %dma_wait3A_63] : memref<2048x128xf32, #tpu.memory_space<hbm>> -> memref<200x128xf32, #tpu.memory_space<hbm>>
      %dma_wait3A_65 = arith.constant 0 : i32
      %dma_wait3A_66 = arith.constant 0 : i32
      %dma_wait3A_67 = tpu.memref_slice %arg4[%dma_wait3A_65, %dma_wait3A_66] : memref<2048x128xf32, #tpu.memory_space<hbm>> -> memref<200x128xf32, #tpu.memory_space<hbm>>
      tpu.wait_dma2 semaphore(%run_scoped3A : memref<!tpu.dma_semaphore, #tpu.memory_space<semaphore_mem>>) src(%dma_wait3A_67 : memref<200x128xf32, #tpu.memory_space<hbm>>) dst(%arg6 : memref<200x128xf32, #tpu.memory_space<vmem>>)
      tpu.yield
    }) : () -> ()
    %mul3A_3 = arith.constant 200 : i32
    %mul3A_4 = arith.muli %mul3A_2, %mul3A_3 : i32
    "tpu.region"() ({
      %run_scoped3A = tpu.sem_alloc : memref<!tpu.dma_semaphore, #tpu.memory_space<semaphore_mem>>
      %dma_start3A_56 = tpu.memref_slice %arg2[%mul3A_4] : memref<819200xi32, #tpu.memory_space<hbm>> -> memref<25600xi32, #tpu.memory_space<hbm>>
      %dma_start3A_57 = tpu.memref_slice %arg2[%mul3A_4] : memref<819200xi32, #tpu.memory_space<hbm>> -> memref<25600xi32, #tpu.memory_space<hbm>>
      tpu.enqueue_dma source(%dma_start3A_57 : memref<25600xi32, #tpu.memory_space<hbm>>) target(%arg7 : memref<25600xi32, #tpu.memory_space<vmem>>) target_semaphore(%run_scoped3A : memref<!tpu.dma_semaphore, #tpu.memory_space<semaphore_mem>>)
      %dma_wait3A_58 = tpu.memref_slice %arg2[%mul3A_4] : memref<819200xi32, #tpu.memory_space<hbm>> -> memref<25600xi32, #tpu.memory_space<hbm>>
      %dma_wait3A_59 = tpu.memref_slice %arg2[%mul3A_4] : memref<819200xi32, #tpu.memory_space<hbm>> -> memref<25600xi32, #tpu.memory_space<hbm>>
      tpu.wait_dma2 semaphore(%run_scoped3A : memref<!tpu.dma_semaphore, #tpu.memory_space<semaphore_mem>>) src(%dma_wait3A_59 : memref<25600xi32, #tpu.memory_space<hbm>>) dst(%arg7 : memref<25600xi32, #tpu.memory_space<vmem>>)
      tpu.yield
    }) : () -> ()
    %dma_start3A = arith.constant 0 : i32
    %dma_start3A_5 = arith.constant 0 : i32
    %dma_start3A_6 = tpu.memref_slice %arg8[%dma_start3A, %dma_start3A_5] : memref<104x128xf32, #tpu.memory_space<vmem>> -> memref<104x128xf32, #tpu.memory_space<vmem>>
    %dma_start3A_7 = arith.constant 0 : i32
    %dma_start3A_8 = tpu.memref_slice %arg7[%dma_start3A_7] : memref<25600xi32, #tpu.memory_space<vmem>> -> memref<104xi32, #tpu.memory_space<vmem>>
    %dma_start3A_9 = arith.constant 0 : i32
    %dma_start3A_10 = arith.constant 0 : i32
    %dma_start3A_11 = tpu.memref_slice %arg3[%dma_start3A_9, %dma_start3A_10] : memref<100000x128xf32, #tpu.memory_space<hbm>> -> memref<100000x128xf32, #tpu.memory_space<hbm>>
    tpu.enqueue_indirect_dma source(%dma_start3A_11 : memref<100000x128xf32, #tpu.memory_space<hbm>>) target(%dma_start3A_6 : memref<104x128xf32, #tpu.memory_space<vmem>>) offsets(%dma_start3A_8 : memref<104xi32, #tpu.memory_space<vmem>>) semaphore(%arg12 : memref<!tpu.dma_semaphore, #tpu.memory_space<semaphore_mem>>)
    %dma_start3A_12 = arith.constant 0 : i32
    %dma_start3A_13 = arith.constant 0 : i32
    %dma_start3A_14 = tpu.memref_slice %arg9[%dma_start3A_12, %dma_start3A_13] : memref<104x128xf32, #tpu.memory_space<vmem>> -> memref<96x128xf32, #tpu.memory_space<vmem>>
    %dma_start3A_15 = arith.constant 104 : i32
    %dma_start3A_16 = tpu.memref_slice %arg7[%dma_start3A_15] : memref<25600xi32, #tpu.memory_space<vmem>> -> memref<96xi32, #tpu.memory_space<vmem>>
    %dma_start3A_17 = arith.constant 0 : i32
    %dma_start3A_18 = arith.constant 0 : i32
    %dma_start3A_19 = tpu.memref_slice %arg3[%dma_start3A_17, %dma_start3A_18] : memref<100000x128xf32, #tpu.memory_space<hbm>> -> memref<100000x128xf32, #tpu.memory_space<hbm>>
    tpu.enqueue_indirect_dma source(%dma_start3A_19 : memref<100000x128xf32, #tpu.memory_space<hbm>>) target(%dma_start3A_14 : memref<96x128xf32, #tpu.memory_space<vmem>>) offsets(%dma_start3A_16 : memref<96xi32, #tpu.memory_space<vmem>>) semaphore(%arg13 : memref<!tpu.dma_semaphore, #tpu.memory_space<semaphore_mem>>)
    %scan3A = arith.constant 0 : i32
    %scan3A_20 = arith.constant 0 : i32
    %scan3A_21 = arith.constant 64 : i32
    %scan3A_22 = arith.addi %scan3A_20, %scan3A_21 : i32
    %scan3A_23 = arith.constant 1 : i32
    scf.for %scan3A_56 = %scan3A_20 to %scan3A_22 step %scan3A_23  : i32 {
      %mul3A_57 = arith.constant 4 : i32
      %mul3A_58 = arith.muli %mul3A_57, %scan3A_56 : i32
      %add3A_59 = arith.constant 0 : i32
      %add3A_60 = arith.addi %mul3A_58, %add3A_59 : i32
      %ge3A = arith.constant 2 : i32
      %ge3A_61 = arith.cmpi sge, %add3A_60, %ge3A : i32
      %convert_element_type3A = arith.extui %ge3A_61 : i1 to i32
      %cond3A = arith.constant 0 : i32
      %cond3A_62 = arith.cmpi ne, %convert_element_type3A, %cond3A : i32
      scf.if %cond3A_62 {
        %sub3A_429 = arith.constant 2 : i32
        %sub3A_430 = arith.subi %add3A_60, %sub3A_429 : i32
        %jit3A_431 = arith.constant 2 : i32
        %div3A_432 = arith.divsi %sub3A_430, %jit3A_431 : i32
        %sign3A_433 = arith.constant 0 : i32
        %sign3A_434 = arith.cmpi sgt, %sub3A_430, %sign3A_433 : i32
        %sign3A_435 = arith.extui %sign3A_434 : i1 to i32
        %sign3A_436 = arith.constant 0 : i32
        %sign3A_437 = arith.cmpi slt, %sub3A_430, %sign3A_436 : i32
        %sign3A_438 = arith.extui %sign3A_437 : i1 to i32
        %sign3A_439 = arith.subi %sign3A_435, %sign3A_438 : i32
        %sign3A_440 = arith.constant 0 : i32
        %sign3A_441 = arith.cmpi sgt, %jit3A_431, %sign3A_440 : i32
        %sign3A_442 = arith.extui %sign3A_441 : i1 to i32
        %sign3A_443 = arith.constant 0 : i32
        %sign3A_444 = arith.cmpi slt, %jit3A_431, %sign3A_443 : i32
        %sign3A_445 = arith.extui %sign3A_444 : i1 to i32
        %sign3A_446 = arith.subi %sign3A_442, %sign3A_445 : i32
        %ne3A_447 = arith.cmpi ne, %sign3A_439, %sign3A_446 : i32
        %rem3A_448 = arith.remsi %sub3A_430, %jit3A_431 : i32
        %ne3A_449 = arith.constant 0 : i32
        %ne3A_450 = arith.cmpi ne, %rem3A_448, %ne3A_449 : i32
        %and3A_451 = arith.andi %ne3A_447, %ne3A_450 : i1
        %sub3A_452 = arith.constant 1 : i32
        %sub3A_453 = arith.subi %div3A_432, %sub3A_452 : i32
        %select_n3A_454 = arith.select %and3A_451, %sub3A_453, %div3A_432 : i32
        %add3A_455 = arith.addi %mul3A_2, %select_n3A_454 : i32
        %mul3A_456 = arith.constant 200 : i32
        %mul3A_457 = arith.muli %add3A_455, %mul3A_456 : i32
        %add3A_458 = arith.constant 0 : i32
        %add3A_459 = arith.addi %mul3A_457, %add3A_458 : i32
        %dma_wait3A_460 = arith.constant 0 : i32
        %dma_wait3A_461 = arith.constant 0 : i32
        %dma_wait3A_462 = tpu.memref_slice %arg10[%dma_wait3A_460, %dma_wait3A_461] : memref<104x128xf32, #tpu.memory_space<vmem>> -> memref<104x128xf32, #tpu.memory_space<vmem>>
        %dma_wait3A_463 = arith.constant 0 : i32
        %dma_wait3A_464 = tpu.memref_slice %arg5[%add3A_459, %dma_wait3A_463] : memref<819200x128xf32, #tpu.memory_space<hbm>> -> memref<104x128xf32, #tpu.memory_space<hbm>>
        %dma_wait3A_465 = arith.constant 0 : i32
        %dma_wait3A_466 = tpu.memref_slice %arg5[%add3A_459, %dma_wait3A_465] : memref<819200x128xf32, #tpu.memory_space<hbm>> -> memref<104x128xf32, #tpu.memory_space<hbm>>
        %dma_wait3A_467 = arith.constant 0 : i32
        %dma_wait3A_468 = arith.constant 0 : i32
        %dma_wait3A_469 = tpu.memref_slice %arg10[%dma_wait3A_467, %dma_wait3A_468] : memref<104x128xf32, #tpu.memory_space<vmem>> -> memref<104x128xf32, #tpu.memory_space<vmem>>
        tpu.wait_dma2 semaphore(%arg18 : memref<!tpu.dma_semaphore, #tpu.memory_space<semaphore_mem>>) src(%dma_wait3A_469 : memref<104x128xf32, #tpu.memory_space<vmem>>) dst(%dma_wait3A_466 : memref<104x128xf32, #tpu.memory_space<hbm>>)
      } else {
      }
      %add3A_63 = arith.constant 2 : i32
      %add3A_64 = arith.addi %add3A_60, %add3A_63 : i32
      %lt3A = arith.constant 256 : i32
      %lt3A_65 = arith.cmpi slt, %add3A_64, %lt3A : i32
      %convert_element_type3A_66 = arith.extui %lt3A_65 : i1 to i32
      %cond3A_67 = arith.constant 0 : i32
      %cond3A_68 = arith.cmpi ne, %convert_element_type3A_66, %cond3A_67 : i32
      scf.if %cond3A_68 {
        %add3A_429 = arith.constant 2 : i32
        %add3A_430 = arith.addi %add3A_60, %add3A_429 : i32
        %jit3A_431 = arith.constant 2 : i32
        %div3A_432 = arith.divsi %add3A_430, %jit3A_431 : i32
        %sign3A_433 = arith.constant 0 : i32
        %sign3A_434 = arith.cmpi sgt, %add3A_430, %sign3A_433 : i32
        %sign3A_435 = arith.extui %sign3A_434 : i1 to i32
        %sign3A_436 = arith.constant 0 : i32
        %sign3A_437 = arith.cmpi slt, %add3A_430, %sign3A_436 : i32
        %sign3A_438 = arith.extui %sign3A_437 : i1 to i32
        %sign3A_439 = arith.subi %sign3A_435, %sign3A_438 : i32
        %sign3A_440 = arith.constant 0 : i32
        %sign3A_441 = arith.cmpi sgt, %jit3A_431, %sign3A_440 : i32
        %sign3A_442 = arith.extui %sign3A_441 : i1 to i32
        %sign3A_443 = arith.constant 0 : i32
        %sign3A_444 = arith.cmpi slt, %jit3A_431, %sign3A_443 : i32
        %sign3A_445 = arith.extui %sign3A_444 : i1 to i32
        %sign3A_446 = arith.subi %sign3A_442, %sign3A_445 : i32
        %ne3A_447 = arith.cmpi ne, %sign3A_439, %sign3A_446 : i32
        %rem3A_448 = arith.remsi %add3A_430, %jit3A_431 : i32
        %ne3A_449 = arith.constant 0 : i32
        %ne3A_450 = arith.cmpi ne, %rem3A_448, %ne3A_449 : i32
        %and3A_451 = arith.andi %ne3A_447, %ne3A_450 : i1
        %sub3A_452 = arith.constant 1 : i32
        %sub3A_453 = arith.subi %div3A_432, %sub3A_452 : i32
        %select_n3A_454 = arith.select %and3A_451, %sub3A_453, %div3A_432 : i32
        %mul3A_455 = arith.constant 200 : i32
        %mul3A_456 = arith.muli %select_n3A_454, %mul3A_455 : i32
        %add3A_457 = arith.constant 0 : i32
        %add3A_458 = arith.addi %mul3A_456, %add3A_457 : i32
        %dma_start3A_459 = arith.constant 0 : i32
        %dma_start3A_460 = arith.constant 0 : i32
        %dma_start3A_461 = tpu.memref_slice %arg10[%dma_start3A_459, %dma_start3A_460] : memref<104x128xf32, #tpu.memory_space<vmem>> -> memref<104x128xf32, #tpu.memory_space<vmem>>
        %dma_start3A_462 = tpu.memref_slice %arg7[%add3A_458] : memref<25600xi32, #tpu.memory_space<vmem>> -> memref<104xi32, #tpu.memory_space<vmem>>
        %dma_start3A_463 = arith.constant 0 : i32
        %dma_start3A_464 = arith.constant 0 : i32
        %dma_start3A_465 = tpu.memref_slice %arg3[%dma_start3A_463, %dma_start3A_464] : memref<100000x128xf32, #tpu.memory_space<hbm>> -> memref<100000x128xf32, #tpu.memory_space<hbm>>
        tpu.enqueue_indirect_dma source(%dma_start3A_465 : memref<100000x128xf32, #tpu.memory_space<hbm>>) target(%dma_start3A_461 : memref<104x128xf32, #tpu.memory_space<vmem>>) offsets(%dma_start3A_462 : memref<104xi32, #tpu.memory_space<vmem>>) semaphore(%arg14 : memref<!tpu.dma_semaphore, #tpu.memory_space<semaphore_mem>>)
      } else {
      }
      %jit3A = arith.constant 2 : i32
      %div3A = arith.divsi %add3A_60, %jit3A : i32
      %sign3A = arith.constant 0 : i32
      %sign3A_69 = arith.cmpi sgt, %add3A_60, %sign3A : i32
      %sign3A_70 = arith.extui %sign3A_69 : i1 to i32
      %sign3A_71 = arith.constant 0 : i32
      %sign3A_72 = arith.cmpi slt, %add3A_60, %sign3A_71 : i32
      %sign3A_73 = arith.extui %sign3A_72 : i1 to i32
      %sign3A_74 = arith.subi %sign3A_70, %sign3A_73 : i32
      %sign3A_75 = arith.constant 0 : i32
      %sign3A_76 = arith.cmpi sgt, %jit3A, %sign3A_75 : i32
      %sign3A_77 = arith.extui %sign3A_76 : i1 to i32
      %sign3A_78 = arith.constant 0 : i32
      %sign3A_79 = arith.cmpi slt, %jit3A, %sign3A_78 : i32
      %sign3A_80 = arith.extui %sign3A_79 : i1 to i32
      %sign3A_81 = arith.subi %sign3A_77, %sign3A_80 : i32
      %ne3A = arith.cmpi ne, %sign3A_74, %sign3A_81 : i32
      %rem3A = arith.remsi %add3A_60, %jit3A : i32
      %ne3A_82 = arith.constant 0 : i32
      %ne3A_83 = arith.cmpi ne, %rem3A, %ne3A_82 : i32
      %and3A = arith.andi %ne3A, %ne3A_83 : i1
      %sub3A = arith.constant 1 : i32
      %sub3A_84 = arith.subi %div3A, %sub3A : i32
      %select_n3A = arith.select %and3A, %sub3A_84, %div3A : i32
      %mul3A_85 = arith.constant 200 : i32
      %mul3A_86 = arith.muli %select_n3A, %mul3A_85 : i32
      %add3A_87 = arith.constant 0 : i32
      %add3A_88 = arith.addi %mul3A_86, %add3A_87 : i32
      %dma_wait3A_89 = arith.constant 0 : i32
      %dma_wait3A_90 = arith.constant 0 : i32
      %dma_wait3A_91 = tpu.memref_slice %arg8[%dma_wait3A_89, %dma_wait3A_90] : memref<104x128xf32, #tpu.memory_space<vmem>> -> memref<104x128xf32, #tpu.memory_space<vmem>>
      %dma_wait3A_92 = tpu.memref_slice %arg7[%add3A_88] : memref<25600xi32, #tpu.memory_space<vmem>> -> memref<104xi32, #tpu.memory_space<vmem>>
      %dma_wait3A_93 = arith.constant 0 : i32
      %dma_wait3A_94 = arith.constant 0 : i32
      %dma_wait3A_95 = tpu.memref_slice %arg3[%dma_wait3A_93, %dma_wait3A_94] : memref<100000x128xf32, #tpu.memory_space<hbm>> -> memref<100000x128xf32, #tpu.memory_space<hbm>>
      tpu.wait_indirect_dma semaphore(%arg12 : memref<!tpu.dma_semaphore, #tpu.memory_space<semaphore_mem>>) src(%dma_wait3A_95 : memref<100000x128xf32, #tpu.memory_space<hbm>>) dst(%dma_wait3A_91 : memref<104x128xf32, #tpu.memory_space<vmem>>)
      %scan3A_96 = arith.constant 0 : i32
      %scan3A_97 = arith.constant 0 : i32
      %scan3A_98 = arith.constant 104 : i32
      %scan3A_99 = arith.addi %scan3A_97, %scan3A_98 : i32
      %scan3A_100 = arith.constant 1 : i32
      scf.for %scan3A_429 = %scan3A_97 to %scan3A_99 step %scan3A_100  : i32 {
        %add3A_430 = arith.constant 0 : i32
        %add3A_431 = arith.addi %add3A_430, %scan3A_429 : i32
        %get3A = arith.index_cast %add3A_431 : i32 to index
        %get3A_432 = arith.constant 0 : index
        %get3A_433 = tpu.vector_load %arg6[%get3A, %get3A_432] {strides = array<i32>} : memref<200x128xf32, #tpu.memory_space<vmem>>, vector<1x16xf32>,
        %get3A_434 = vector.shape_cast %get3A_433 : vector<1x16xf32> to vector<16xf32>
        %swap3A = arith.index_cast %scan3A_429 : i32 to index
        %swap3A_435 = arith.constant 0 : index
        %swap3A_436 = tpu.vector_load %arg8[%swap3A, %swap3A_435] {strides = array<i32>} : memref<104x128xf32, #tpu.memory_space<vmem>>, vector<1x16xf32>,
        %swap3A_437 = vector.shape_cast %swap3A_436 : vector<1x16xf32> to vector<16xf32>
        %swap3A_438 = vector.shape_cast %get3A_434 : vector<16xf32> to vector<1x16xf32>
        tpu.vector_store %arg8[%swap3A, %swap3A_435], %swap3A_438 {add = true, strides = array<i32>} : memref<104x128xf32, #tpu.memory_space<vmem>>, vector<1x16xf32>,
        %add3A_439 = arith.constant 0 : i32
        %add3A_440 = arith.addi %add3A_439, %scan3A_429 : i32
        %get3A_441 = arith.index_cast %add3A_440 : i32 to index
        %get3A_442 = arith.constant 16 : index
        %get3A_443 = tpu.vector_load %arg6[%get3A_441, %get3A_442] {strides = array<i32>} : memref<200x128xf32, #tpu.memory_space<vmem>>, vector<1x16xf32>,
        %get3A_444 = vector.shape_cast %get3A_443 : vector<1x16xf32> to vector<16xf32>
        %swap3A_445 = arith.index_cast %scan3A_429 : i32 to index
        %swap3A_446 = arith.constant 16 : index
        %swap3A_447 = tpu.vector_load %arg8[%swap3A_445, %swap3A_446] {strides = array<i32>} : memref<104x128xf32, #tpu.memory_space<vmem>>, vector<1x16xf32>,
        %swap3A_448 = vector.shape_cast %swap3A_447 : vector<1x16xf32> to vector<16xf32>
        %swap3A_449 = vector.shape_cast %get3A_444 : vector<16xf32> to vector<1x16xf32>
        tpu.vector_store %arg8[%swap3A_445, %swap3A_446], %swap3A_449 {add = true, strides = array<i32>} : memref<104x128xf32, #tpu.memory_space<vmem>>, vector<1x16xf32>,
        %add3A_450 = arith.constant 0 : i32
        %add3A_451 = arith.addi %add3A_450, %scan3A_429 : i32
        %get3A_452 = arith.index_cast %add3A_451 : i32 to index
        %get3A_453 = arith.constant 32 : index
        %get3A_454 = tpu.vector_load %arg6[%get3A_452, %get3A_453] {strides = array<i32>} : memref<200x128xf32, #tpu.memory_space<vmem>>, vector<1x16xf32>,
        %get3A_455 = vector.shape_cast %get3A_454 : vector<1x16xf32> to vector<16xf32>
        %swap3A_456 = arith.index_cast %scan3A_429 : i32 to index
        %swap3A_457 = arith.constant 32 : index
        %swap3A_458 = tpu.vector_load %arg8[%swap3A_456, %swap3A_457] {strides = array<i32>} : memref<104x128xf32, #tpu.memory_space<vmem>>, vector<1x16xf32>,
        %swap3A_459 = vector.shape_cast %swap3A_458 : vector<1x16xf32> to vector<16xf32>
        %swap3A_460 = vector.shape_cast %get3A_455 : vector<16xf32> to vector<1x16xf32>
        tpu.vector_store %arg8[%swap3A_456, %swap3A_457], %swap3A_460 {add = true, strides = array<i32>} : memref<104x128xf32, #tpu.memory_space<vmem>>, vector<1x16xf32>,
        %add3A_461 = arith.constant 0 : i32
        %add3A_462 = arith.addi %add3A_461, %scan3A_429 : i32
        %get3A_463 = arith.index_cast %add3A_462 : i32 to index
        %get3A_464 = arith.constant 48 : index
        %get3A_465 = tpu.vector_load %arg6[%get3A_463, %get3A_464] {strides = array<i32>} : memref<200x128xf32, #tpu.memory_space<vmem>>, vector<1x16xf32>,
        %get3A_466 = vector.shape_cast %get3A_465 : vector<1x16xf32> to vector<16xf32>
        %swap3A_467 = arith.index_cast %scan3A_429 : i32 to index
        %swap3A_468 = arith.constant 48 : index
        %swap3A_469 = tpu.vector_load %arg8[%swap3A_467, %swap3A_468] {strides = array<i32>} : memref<104x128xf32, #tpu.memory_space<vmem>>, vector<1x16xf32>,
        %swap3A_470 = vector.shape_cast %swap3A_469 : vector<1x16xf32> to vector<16xf32>
        %swap3A_471 = vector.shape_cast %get3A_466 : vector<16xf32> to vector<1x16xf32>
        tpu.vector_store %arg8[%swap3A_467, %swap3A_468], %swap3A_471 {add = true, strides = array<i32>} : memref<104x128xf32, #tpu.memory_space<vmem>>, vector<1x16xf32>,
        %add3A_472 = arith.constant 0 : i32
        %add3A_473 = arith.addi %add3A_472, %scan3A_429 : i32
        %get3A_474 = arith.index_cast %add3A_473 : i32 to index
        %get3A_475 = arith.constant 64 : index
        %get3A_476 = tpu.vector_load %arg6[%get3A_474, %get3A_475] {strides = array<i32>} : memref<200x128xf32, #tpu.memory_space<vmem>>, vector<1x16xf32>,
        %get3A_477 = vector.shape_cast %get3A_476 : vector<1x16xf32> to vector<16xf32>
        %swap3A_478 = arith.index_cast %scan3A_429 : i32 to index
        %swap3A_479 = arith.constant 64 : index
        %swap3A_480 = tpu.vector_load %arg8[%swap3A_478, %swap3A_479] {strides = array<i32>} : memref<104x128xf32, #tpu.memory_space<vmem>>, vector<1x16xf32>,
        %swap3A_481 = vector.shape_cast %swap3A_480 : vector<1x16xf32> to vector<16xf32>
        %swap3A_482 = vector.shape_cast %get3A_477 : vector<16xf32> to vector<1x16xf32>
        tpu.vector_store %arg8[%swap3A_478, %swap3A_479], %swap3A_482 {add = true, strides = array<i32>} : memref<104x128xf32, #tpu.memory_space<vmem>>, vector<1x16xf32>,
        %add3A_483 = arith.constant 0 : i32
        %add3A_484 = arith.addi %add3A_483, %scan3A_429 : i32
        %get3A_485 = arith.index_cast %add3A_484 : i32 to index
        %get3A_486 = arith.constant 80 : index
        %get3A_487 = tpu.vector_load %arg6[%get3A_485, %get3A_486] {strides = array<i32>} : memref<200x128xf32, #tpu.memory_space<vmem>>, vector<1x16xf32>,
        %get3A_488 = vector.shape_cast %get3A_487 : vector<1x16xf32> to vector<16xf32>
        %swap3A_489 = arith.index_cast %scan3A_429 : i32 to index
        %swap3A_490 = arith.constant 80 : index
        %swap3A_491 = tpu.vector_load %arg8[%swap3A_489, %swap3A_490] {strides = array<i32>} : memref<104x128xf32, #tpu.memory_space<vmem>>, vector<1x16xf32>,
        %swap3A_492 = vector.shape_cast %swap3A_491 : vector<1x16xf32> to vector<16xf32>
        %swap3A_493 = vector.shape_cast %get3A_488 : vector<16xf32> to vector<1x16xf32>
        tpu.vector_store %arg8[%swap3A_489, %swap3A_490], %swap3A_493 {add = true, strides = array<i32>} : memref<104x128xf32, #tpu.memory_space<vmem>>, vector<1x16xf32>,
        %add3A_494 = arith.constant 0 : i32
        %add3A_495 = arith.addi %add3A_494, %scan3A_429 : i32
        %get3A_496 = arith.index_cast %add3A_495 : i32 to index
        %get3A_497 = arith.constant 96 : index
        %get3A_498 = tpu.vector_load %arg6[%get3A_496, %get3A_497] {strides = array<i32>} : memref<200x128xf32, #tpu.memory_space<vmem>>, vector<1x16xf32>,
        %get3A_499 = vector.shape_cast %get3A_498 : vector<1x16xf32> to vector<16xf32>
        %swap3A_500 = arith.index_cast %scan3A_429 : i32 to index
        %swap3A_501 = arith.constant 96 : index
        %swap3A_502 = tpu.vector_load %arg8[%swap3A_500, %swap3A_501] {strides = array<i32>} : memref<104x128xf32, #tpu.memory_space<vmem>>, vector<1x16xf32>,
        %swap3A_503 = vector.shape_cast %swap3A_502 : vector<1x16xf32> to vector<16xf32>
        %swap3A_504 = vector.shape_cast %get3A_499 : vector<16xf32> to vector<1x16xf32>
        tpu.vector_store %arg8[%swap3A_500, %swap3A_501], %swap3A_504 {add = true, strides = array<i32>} : memref<104x128xf32, #tpu.memory_space<vmem>>, vector<1x16xf32>,
        %add3A_505 = arith.constant 0 : i32
        %add3A_506 = arith.addi %add3A_505, %scan3A_429 : i32
        %get3A_507 = arith.index_cast %add3A_506 : i32 to index
        %get3A_508 = arith.constant 112 : index
        %get3A_509 = tpu.vector_load %arg6[%get3A_507, %get3A_508] {strides = array<i32>} : memref<200x128xf32, #tpu.memory_space<vmem>>, vector<1x16xf32>,
        %get3A_510 = vector.shape_cast %get3A_509 : vector<1x16xf32> to vector<16xf32>
        %swap3A_511 = arith.index_cast %scan3A_429 : i32 to index
        %swap3A_512 = arith.constant 112 : index
        %swap3A_513 = tpu.vector_load %arg8[%swap3A_511, %swap3A_512] {strides = array<i32>} : memref<104x128xf32, #tpu.memory_space<vmem>>, vector<1x16xf32>,
        %swap3A_514 = vector.shape_cast %swap3A_513 : vector<1x16xf32> to vector<16xf32>
        %swap3A_515 = vector.shape_cast %get3A_510 : vector<16xf32> to vector<1x16xf32>
        tpu.vector_store %arg8[%swap3A_511, %swap3A_512], %swap3A_515 {add = true, strides = array<i32>} : memref<104x128xf32, #tpu.memory_space<vmem>>, vector<1x16xf32>,
      }
      %scan3A_101 = arith.constant 104 : i32
      %jit3A_102 = arith.constant 2 : i32
      %div3A_103 = arith.divsi %add3A_60, %jit3A_102 : i32
      %sign3A_104 = arith.constant 0 : i32
      %sign3A_105 = arith.cmpi sgt, %add3A_60, %sign3A_104 : i32
      %sign3A_106 = arith.extui %sign3A_105 : i1 to i32
      %sign3A_107 = arith.constant 0 : i32
      %sign3A_108 = arith.cmpi slt, %add3A_60, %sign3A_107 : i32
      %sign3A_109 = arith.extui %sign3A_108 : i1 to i32
      %sign3A_110 = arith.subi %sign3A_106, %sign3A_109 : i32
      %sign3A_111 = arith.constant 0 : i32
      %sign3A_112 = arith.cmpi sgt, %jit3A_102, %sign3A_111 : i32
      %sign3A_113 = arith.extui %sign3A_112 : i1 to i32
      %sign3A_114 = arith.constant 0 : i32
      %sign3A_115 = arith.cmpi slt, %jit3A_102, %sign3A_114 : i32
      %sign3A_116 = arith.extui %sign3A_115 : i1 to i32
      %sign3A_117 = arith.subi %sign3A_113, %sign3A_116 : i32
      %ne3A_118 = arith.cmpi ne, %sign3A_110, %sign3A_117 : i32
      %rem3A_119 = arith.remsi %add3A_60, %jit3A_102 : i32
      %ne3A_120 = arith.constant 0 : i32
      %ne3A_121 = arith.cmpi ne, %rem3A_119, %ne3A_120 : i32
      %and3A_122 = arith.andi %ne3A_118, %ne3A_121 : i1
      %sub3A_123 = arith.constant 1 : i32
      %sub3A_124 = arith.subi %div3A_103, %sub3A_123 : i32
      %select_n3A_125 = arith.select %and3A_122, %sub3A_124, %div3A_103 : i32
      %add3A_126 = arith.addi %mul3A_2, %select_n3A_125 : i32
      %mul3A_127 = arith.constant 200 : i32
      %mul3A_128 = arith.muli %add3A_126, %mul3A_127 : i32
      %add3A_129 = arith.constant 0 : i32
      %add3A_130 = arith.addi %mul3A_128, %add3A_129 : i32
      %dma_start3A_131 = arith.constant 0 : i32
      %dma_start3A_132 = arith.constant 0 : i32
      %dma_start3A_133 = tpu.memref_slice %arg8[%dma_start3A_131, %dma_start3A_132] : memref<104x128xf32, #tpu.memory_space<vmem>> -> memref<104x128xf32, #tpu.memory_space<vmem>>
      %dma_start3A_134 = arith.constant 0 : i32
      %dma_start3A_135 = tpu.memref_slice %arg5[%add3A_130, %dma_start3A_134] : memref<819200x128xf32, #tpu.memory_space<hbm>> -> memref<104x128xf32, #tpu.memory_space<hbm>>
      %dma_start3A_136 = arith.constant 0 : i32
      %dma_start3A_137 = tpu.memref_slice %arg5[%add3A_130, %dma_start3A_136] : memref<819200x128xf32, #tpu.memory_space<hbm>> -> memref<104x128xf32, #tpu.memory_space<hbm>>
      %dma_start3A_138 = arith.constant 0 : i32
      %dma_start3A_139 = arith.constant 0 : i32
      %dma_start3A_140 = tpu.memref_slice %arg8[%dma_start3A_138, %dma_start3A_139] : memref<104x128xf32, #tpu.memory_space<vmem>> -> memref<104x128xf32, #tpu.memory_space<vmem>>
      tpu.enqueue_dma source(%dma_start3A_140 : memref<104x128xf32, #tpu.memory_space<vmem>>) target(%dma_start3A_137 : memref<104x128xf32, #tpu.memory_space<hbm>>) target_semaphore(%arg16 : memref<!tpu.dma_semaphore, #tpu.memory_space<semaphore_mem>>)
      %mul3A_141 = arith.constant 4 : i32
      %mul3A_142 = arith.muli %mul3A_141, %scan3A_56 : i32
      %add3A_143 = arith.constant 1 : i32
      %add3A_144 = arith.addi %mul3A_142, %add3A_143 : i32
      %ge3A_145 = arith.constant 2 : i32
      %ge3A_146 = arith.cmpi sge, %add3A_144, %ge3A_145 : i32
      %convert_element_type3A_147 = arith.extui %ge3A_146 : i1 to i32
      %cond3A_148 = arith.constant 0 : i32
      %cond3A_149 = arith.cmpi ne, %convert_element_type3A_147, %cond3A_148 : i32
      scf.if %cond3A_149 {
        %sub3A_429 = arith.constant 2 : i32
        %sub3A_430 = arith.subi %add3A_144, %sub3A_429 : i32
        %jit3A_431 = arith.constant 2 : i32
        %div3A_432 = arith.divsi %sub3A_430, %jit3A_431 : i32
        %sign3A_433 = arith.constant 0 : i32
        %sign3A_434 = arith.cmpi sgt, %sub3A_430, %sign3A_433 : i32
        %sign3A_435 = arith.extui %sign3A_434 : i1 to i32
        %sign3A_436 = arith.constant 0 : i32
        %sign3A_437 = arith.cmpi slt, %sub3A_430, %sign3A_436 : i32
        %sign3A_438 = arith.extui %sign3A_437 : i1 to i32
        %sign3A_439 = arith.subi %sign3A_435, %sign3A_438 : i32
        %sign3A_440 = arith.constant 0 : i32
        %sign3A_441 = arith.cmpi sgt, %jit3A_431, %sign3A_440 : i32
        %sign3A_442 = arith.extui %sign3A_441 : i1 to i32
        %sign3A_443 = arith.constant 0 : i32
        %sign3A_444 = arith.cmpi slt, %jit3A_431, %sign3A_443 : i32
        %sign3A_445 = arith.extui %sign3A_444 : i1 to i32
        %sign3A_446 = arith.subi %sign3A_442, %sign3A_445 : i32
        %ne3A_447 = arith.cmpi ne, %sign3A_439, %sign3A_446 : i32
        %rem3A_448 = arith.remsi %sub3A_430, %jit3A_431 : i32
        %ne3A_449 = arith.constant 0 : i32
        %ne3A_450 = arith.cmpi ne, %rem3A_448, %ne3A_449 : i32
        %and3A_451 = arith.andi %ne3A_447, %ne3A_450 : i1
        %sub3A_452 = arith.constant 1 : i32
        %sub3A_453 = arith.subi %div3A_432, %sub3A_452 : i32
        %select_n3A_454 = arith.select %and3A_451, %sub3A_453, %div3A_432 : i32
        %add3A_455 = arith.addi %mul3A_2, %select_n3A_454 : i32
        %mul3A_456 = arith.constant 200 : i32
        %mul3A_457 = arith.muli %add3A_455, %mul3A_456 : i32
        %add3A_458 = arith.constant 104 : i32
        %add3A_459 = arith.addi %mul3A_457, %add3A_458 : i32
        %dma_wait3A_460 = arith.constant 0 : i32
        %dma_wait3A_461 = arith.constant 0 : i32
        %dma_wait3A_462 = tpu.memref_slice %arg11[%dma_wait3A_460, %dma_wait3A_461] : memref<104x128xf32, #tpu.memory_space<vmem>> -> memref<96x128xf32, #tpu.memory_space<vmem>>
        %dma_wait3A_463 = arith.constant 0 : i32
        %dma_wait3A_464 = tpu.memref_slice %arg5[%add3A_459, %dma_wait3A_463] : memref<819200x128xf32, #tpu.memory_space<hbm>> -> memref<96x128xf32, #tpu.memory_space<hbm>>
        %dma_wait3A_465 = arith.constant 0 : i32
        %dma_wait3A_466 = tpu.memref_slice %arg5[%add3A_459, %dma_wait3A_465] : memref<819200x128xf32, #tpu.memory_space<hbm>> -> memref<96x128xf32, #tpu.memory_space<hbm>>
        %dma_wait3A_467 = arith.constant 0 : i32
        %dma_wait3A_468 = arith.constant 0 : i32
        %dma_wait3A_469 = tpu.memref_slice %arg11[%dma_wait3A_467, %dma_wait3A_468] : memref<104x128xf32, #tpu.memory_space<vmem>> -> memref<96x128xf32, #tpu.memory_space<vmem>>
        tpu.wait_dma2 semaphore(%arg19 : memref<!tpu.dma_semaphore, #tpu.memory_space<semaphore_mem>>) src(%dma_wait3A_469 : memref<96x128xf32, #tpu.memory_space<vmem>>) dst(%dma_wait3A_466 : memref<96x128xf32, #tpu.memory_space<hbm>>)
      } else {
      }
      %add3A_150 = arith.constant 2 : i32
      %add3A_151 = arith.addi %add3A_144, %add3A_150 : i32
      %lt3A_152 = arith.constant 256 : i32
      %lt3A_153 = arith.cmpi slt, %add3A_151, %lt3A_152 : i32
      %convert_element_type3A_154 = arith.extui %lt3A_153 : i1 to i32
      %cond3A_155 = arith.constant 0 : i32
      %cond3A_156 = arith.cmpi ne, %convert_element_type3A_154, %cond3A_155 : i32
      scf.if %cond3A_156 {
        %add3A_429 = arith.constant 2 : i32
        %add3A_430 = arith.addi %add3A_144, %add3A_429 : i32
        %jit3A_431 = arith.constant 2 : i32
        %div3A_432 = arith.divsi %add3A_430, %jit3A_431 : i32
        %sign3A_433 = arith.constant 0 : i32
        %sign3A_434 = arith.cmpi sgt, %add3A_430, %sign3A_433 : i32
        %sign3A_435 = arith.extui %sign3A_434 : i1 to i32
        %sign3A_436 = arith.constant 0 : i32
        %sign3A_437 = arith.cmpi slt, %add3A_430, %sign3A_436 : i32
        %sign3A_438 = arith.extui %sign3A_437 : i1 to i32
        %sign3A_439 = arith.subi %sign3A_435, %sign3A_438 : i32
        %sign3A_440 = arith.constant 0 : i32
        %sign3A_441 = arith.cmpi sgt, %jit3A_431, %sign3A_440 : i32
        %sign3A_442 = arith.extui %sign3A_441 : i1 to i32
        %sign3A_443 = arith.constant 0 : i32
        %sign3A_444 = arith.cmpi slt, %jit3A_431, %sign3A_443 : i32
        %sign3A_445 = arith.extui %sign3A_444 : i1 to i32
        %sign3A_446 = arith.subi %sign3A_442, %sign3A_445 : i32
        %ne3A_447 = arith.cmpi ne, %sign3A_439, %sign3A_446 : i32
        %rem3A_448 = arith.remsi %add3A_430, %jit3A_431 : i32
        %ne3A_449 = arith.constant 0 : i32
        %ne3A_450 = arith.cmpi ne, %rem3A_448, %ne3A_449 : i32
        %and3A_451 = arith.andi %ne3A_447, %ne3A_450 : i1
        %sub3A_452 = arith.constant 1 : i32
        %sub3A_453 = arith.subi %div3A_432, %sub3A_452 : i32
        %select_n3A_454 = arith.select %and3A_451, %sub3A_453, %div3A_432 : i32
        %mul3A_455 = arith.constant 200 : i32
        %mul3A_456 = arith.muli %select_n3A_454, %mul3A_455 : i32
        %add3A_457 = arith.constant 104 : i32
        %add3A_458 = arith.addi %mul3A_456, %add3A_457 : i32
        %dma_start3A_459 = arith.constant 0 : i32
        %dma_start3A_460 = arith.constant 0 : i32
        %dma_start3A_461 = tpu.memref_slice %arg11[%dma_start3A_459, %dma_start3A_460] : memref<104x128xf32, #tpu.memory_space<vmem>> -> memref<96x128xf32, #tpu.memory_space<vmem>>
        %dma_start3A_462 = tpu.memref_slice %arg7[%add3A_458] : memref<25600xi32, #tpu.memory_space<vmem>> -> memref<96xi32, #tpu.memory_space<vmem>>
        %dma_start3A_463 = arith.constant 0 : i32
        %dma_start3A_464 = arith.constant 0 : i32
        %dma_start3A_465 = tpu.memref_slice %arg3[%dma_start3A_463, %dma_start3A_464] : memref<100000x128xf32, #tpu.memory_space<hbm>> -> memref<100000x128xf32, #tpu.memory_space<hbm>>
        tpu.enqueue_indirect_dma source(%dma_start3A_465 : memref<100000x128xf32, #tpu.memory_space<hbm>>) target(%dma_start3A_461 : memref<96x128xf32, #tpu.memory_space<vmem>>) offsets(%dma_start3A_462 : memref<96xi32, #tpu.memory_space<vmem>>) semaphore(%arg15 : memref<!tpu.dma_semaphore, #tpu.memory_space<semaphore_mem>>)
      } else {
      }
      %jit3A_157 = arith.constant 2 : i32
      %div3A_158 = arith.divsi %add3A_144, %jit3A_157 : i32
      %sign3A_159 = arith.constant 0 : i32
      %sign3A_160 = arith.cmpi sgt, %add3A_144, %sign3A_159 : i32
      %sign3A_161 = arith.extui %sign3A_160 : i1 to i32
      %sign3A_162 = arith.constant 0 : i32
      %sign3A_163 = arith.cmpi slt, %add3A_144, %sign3A_162 : i32
      %sign3A_164 = arith.extui %sign3A_163 : i1 to i32
      %sign3A_165 = arith.subi %sign3A_161, %sign3A_164 : i32
      %sign3A_166 = arith.constant 0 : i32
      %sign3A_167 = arith.cmpi sgt, %jit3A_157, %sign3A_166 : i32
      %sign3A_168 = arith.extui %sign3A_167 : i1 to i32
      %sign3A_169 = arith.constant 0 : i32
      %sign3A_170 = arith.cmpi slt, %jit3A_157, %sign3A_169 : i32
      %sign3A_171 = arith.extui %sign3A_170 : i1 to i32
      %sign3A_172 = arith.subi %sign3A_168, %sign3A_171 : i32
      %ne3A_173 = arith.cmpi ne, %sign3A_165, %sign3A_172 : i32
      %rem3A_174 = arith.remsi %add3A_144, %jit3A_157 : i32
      %ne3A_175 = arith.constant 0 : i32
      %ne3A_176 = arith.cmpi ne, %rem3A_174, %ne3A_175 : i32
      %and3A_177 = arith.andi %ne3A_173, %ne3A_176 : i1
      %sub3A_178 = arith.constant 1 : i32
      %sub3A_179 = arith.subi %div3A_158, %sub3A_178 : i32
      %select_n3A_180 = arith.select %and3A_177, %sub3A_179, %div3A_158 : i32
      %mul3A_181 = arith.constant 200 : i32
      %mul3A_182 = arith.muli %select_n3A_180, %mul3A_181 : i32
      %add3A_183 = arith.constant 104 : i32
      %add3A_184 = arith.addi %mul3A_182, %add3A_183 : i32
      %dma_wait3A_185 = arith.constant 0 : i32
      %dma_wait3A_186 = arith.constant 0 : i32
      %dma_wait3A_187 = tpu.memref_slice %arg9[%dma_wait3A_185, %dma_wait3A_186] : memref<104x128xf32, #tpu.memory_space<vmem>> -> memref<96x128xf32, #tpu.memory_space<vmem>>
      %dma_wait3A_188 = tpu.memref_slice %arg7[%add3A_184] : memref<25600xi32, #tpu.memory_space<vmem>> -> memref<96xi32, #tpu.memory_space<vmem>>
      %dma_wait3A_189 = arith.constant 0 : i32
      %dma_wait3A_190 = arith.constant 0 : i32
      %dma_wait3A_191 = tpu.memref_slice %arg3[%dma_wait3A_189, %dma_wait3A_190] : memref<100000x128xf32, #tpu.memory_space<hbm>> -> memref<100000x128xf32, #tpu.memory_space<hbm>>
      tpu.wait_indirect_dma semaphore(%arg13 : memref<!tpu.dma_semaphore, #tpu.memory_space<semaphore_mem>>) src(%dma_wait3A_191 : memref<100000x128xf32, #tpu.memory_space<hbm>>) dst(%dma_wait3A_187 : memref<96x128xf32, #tpu.memory_space<vmem>>)
      %scan3A_192 = arith.constant 0 : i32
      %scan3A_193 = arith.constant 0 : i32
      %scan3A_194 = arith.constant 96 : i32
      %scan3A_195 = arith.addi %scan3A_193, %scan3A_194 : i32
      %scan3A_196 = arith.constant 1 : i32
      scf.for %scan3A_429 = %scan3A_193 to %scan3A_195 step %scan3A_196  : i32 {
        %add3A_430 = arith.constant 104 : i32
        %add3A_431 = arith.addi %add3A_430, %scan3A_429 : i32
        %get3A = arith.index_cast %add3A_431 : i32 to index
        %get3A_432 = arith.constant 0 : index
        %get3A_433 = tpu.vector_load %arg6[%get3A, %get3A_432] {strides = array<i32>} : memref<200x128xf32, #tpu.memory_space<vmem>>, vector<1x16xf32>,
        %get3A_434 = vector.shape_cast %get3A_433 : vector<1x16xf32> to vector<16xf32>
        %swap3A = arith.index_cast %scan3A_429 : i32 to index
        %swap3A_435 = arith.constant 0 : index
        %swap3A_436 = tpu.vector_load %arg9[%swap3A, %swap3A_435] {strides = array<i32>} : memref<104x128xf32, #tpu.memory_space<vmem>>, vector<1x16xf32>,
        %swap3A_437 = vector.shape_cast %swap3A_436 : vector<1x16xf32> to vector<16xf32>
        %swap3A_438 = vector.shape_cast %get3A_434 : vector<16xf32> to vector<1x16xf32>
        tpu.vector_store %arg9[%swap3A, %swap3A_435], %swap3A_438 {add = true, strides = array<i32>} : memref<104x128xf32, #tpu.memory_space<vmem>>, vector<1x16xf32>,
        %add3A_439 = arith.constant 104 : i32
        %add3A_440 = arith.addi %add3A_439, %scan3A_429 : i32
        %get3A_441 = arith.index_cast %add3A_440 : i32 to index
        %get3A_442 = arith.constant 16 : index
        %get3A_443 = tpu.vector_load %arg6[%get3A_441, %get3A_442] {strides = array<i32>} : memref<200x128xf32, #tpu.memory_space<vmem>>, vector<1x16xf32>,
        %get3A_444 = vector.shape_cast %get3A_443 : vector<1x16xf32> to vector<16xf32>
        %swap3A_445 = arith.index_cast %scan3A_429 : i32 to index
        %swap3A_446 = arith.constant 16 : index
        %swap3A_447 = tpu.vector_load %arg9[%swap3A_445, %swap3A_446] {strides = array<i32>} : memref<104x128xf32, #tpu.memory_space<vmem>>, vector<1x16xf32>,
        %swap3A_448 = vector.shape_cast %swap3A_447 : vector<1x16xf32> to vector<16xf32>
        %swap3A_449 = vector.shape_cast %get3A_444 : vector<16xf32> to vector<1x16xf32>
        tpu.vector_store %arg9[%swap3A_445, %swap3A_446], %swap3A_449 {add = true, strides = array<i32>} : memref<104x128xf32, #tpu.memory_space<vmem>>, vector<1x16xf32>,
        %add3A_450 = arith.constant 104 : i32
        %add3A_451 = arith.addi %add3A_450, %scan3A_429 : i32
        %get3A_452 = arith.index_cast %add3A_451 : i32 to index
        %get3A_453 = arith.constant 32 : index
        %get3A_454 = tpu.vector_load %arg6[%get3A_452, %get3A_453] {strides = array<i32>} : memref<200x128xf32, #tpu.memory_space<vmem>>, vector<1x16xf32>,
        %get3A_455 = vector.shape_cast %get3A_454 : vector<1x16xf32> to vector<16xf32>
        %swap3A_456 = arith.index_cast %scan3A_429 : i32 to index
        %swap3A_457 = arith.constant 32 : index
        %swap3A_458 = tpu.vector_load %arg9[%swap3A_456, %swap3A_457] {strides = array<i32>} : memref<104x128xf32, #tpu.memory_space<vmem>>, vector<1x16xf32>,
        %swap3A_459 = vector.shape_cast %swap3A_458 : vector<1x16xf32> to vector<16xf32>
        %swap3A_460 = vector.shape_cast %get3A_455 : vector<16xf32> to vector<1x16xf32>
        tpu.vector_store %arg9[%swap3A_456, %swap3A_457], %swap3A_460 {add = true, strides = array<i32>} : memref<104x128xf32, #tpu.memory_space<vmem>>, vector<1x16xf32>,
        %add3A_461 = arith.constant 104 : i32
        %add3A_462 = arith.addi %add3A_461, %scan3A_429 : i32
        %get3A_463 = arith.index_cast %add3A_462 : i32 to index
        %get3A_464 = arith.constant 48 : index
        %get3A_465 = tpu.vector_load %arg6[%get3A_463, %get3A_464] {strides = array<i32>} : memref<200x128xf32, #tpu.memory_space<vmem>>, vector<1x16xf32>,
        %get3A_466 = vector.shape_cast %get3A_465 : vector<1x16xf32> to vector<16xf32>
        %swap3A_467 = arith.index_cast %scan3A_429 : i32 to index
        %swap3A_468 = arith.constant 48 : index
        %swap3A_469 = tpu.vector_load %arg9[%swap3A_467, %swap3A_468] {strides = array<i32>} : memref<104x128xf32, #tpu.memory_space<vmem>>, vector<1x16xf32>,
        %swap3A_470 = vector.shape_cast %swap3A_469 : vector<1x16xf32> to vector<16xf32>
        %swap3A_471 = vector.shape_cast %get3A_466 : vector<16xf32> to vector<1x16xf32>
        tpu.vector_store %arg9[%swap3A_467, %swap3A_468], %swap3A_471 {add = true, strides = array<i32>} : memref<104x128xf32, #tpu.memory_space<vmem>>, vector<1x16xf32>,
        %add3A_472 = arith.constant 104 : i32
        %add3A_473 = arith.addi %add3A_472, %scan3A_429 : i32
        %get3A_474 = arith.index_cast %add3A_473 : i32 to index
        %get3A_475 = arith.constant 64 : index
        %get3A_476 = tpu.vector_load %arg6[%get3A_474, %get3A_475] {strides = array<i32>} : memref<200x128xf32, #tpu.memory_space<vmem>>, vector<1x16xf32>,
        %get3A_477 = vector.shape_cast %get3A_476 : vector<1x16xf32> to vector<16xf32>
        %swap3A_478 = arith.index_cast %scan3A_429 : i32 to index
        %swap3A_479 = arith.constant 64 : index
        %swap3A_480 = tpu.vector_load %arg9[%swap3A_478, %swap3A_479] {strides = array<i32>} : memref<104x128xf32, #tpu.memory_space<vmem>>, vector<1x16xf32>,
        %swap3A_481 = vector.shape_cast %swap3A_480 : vector<1x16xf32> to vector<16xf32>
        %swap3A_482 = vector.shape_cast %get3A_477 : vector<16xf32> to vector<1x16xf32>
        tpu.vector_store %arg9[%swap3A_478, %swap3A_479], %swap3A_482 {add = true, strides = array<i32>} : memref<104x128xf32, #tpu.memory_space<vmem>>, vector<1x16xf32>,
        %add3A_483 = arith.constant 104 : i32
        %add3A_484 = arith.addi %add3A_483, %scan3A_429 : i32
        %get3A_485 = arith.index_cast %add3A_484 : i32 to index
        %get3A_486 = arith.constant 80 : index
        %get3A_487 = tpu.vector_load %arg6[%get3A_485, %get3A_486] {strides = array<i32>} : memref<200x128xf32, #tpu.memory_space<vmem>>, vector<1x16xf32>,
        %get3A_488 = vector.shape_cast %get3A_487 : vector<1x16xf32> to vector<16xf32>
        %swap3A_489 = arith.index_cast %scan3A_429 : i32 to index
        %swap3A_490 = arith.constant 80 : index
        %swap3A_491 = tpu.vector_load %arg9[%swap3A_489, %swap3A_490] {strides = array<i32>} : memref<104x128xf32, #tpu.memory_space<vmem>>, vector<1x16xf32>,
        %swap3A_492 = vector.shape_cast %swap3A_491 : vector<1x16xf32> to vector<16xf32>
        %swap3A_493 = vector.shape_cast %get3A_488 : vector<16xf32> to vector<1x16xf32>
        tpu.vector_store %arg9[%swap3A_489, %swap3A_490], %swap3A_493 {add = true, strides = array<i32>} : memref<104x128xf32, #tpu.memory_space<vmem>>, vector<1x16xf32>,
        %add3A_494 = arith.constant 104 : i32
        %add3A_495 = arith.addi %add3A_494, %scan3A_429 : i32
        %get3A_496 = arith.index_cast %add3A_495 : i32 to index
        %get3A_497 = arith.constant 96 : index
        %get3A_498 = tpu.vector_load %arg6[%get3A_496, %get3A_497] {strides = array<i32>} : memref<200x128xf32, #tpu.memory_space<vmem>>, vector<1x16xf32>,
        %get3A_499 = vector.shape_cast %get3A_498 : vector<1x16xf32> to vector<16xf32>
        %swap3A_500 = arith.index_cast %scan3A_429 : i32 to index
        %swap3A_501 = arith.constant 96 : index
        %swap3A_502 = tpu.vector_load %arg9[%swap3A_500, %swap3A_501] {strides = array<i32>} : memref<104x128xf32, #tpu.memory_space<vmem>>, vector<1x16xf32>,
        %swap3A_503 = vector.shape_cast %swap3A_502 : vector<1x16xf32> to vector<16xf32>
        %swap3A_504 = vector.shape_cast %get3A_499 : vector<16xf32> to vector<1x16xf32>
        tpu.vector_store %arg9[%swap3A_500, %swap3A_501], %swap3A_504 {add = true, strides = array<i32>} : memref<104x128xf32, #tpu.memory_space<vmem>>, vector<1x16xf32>,
        %add3A_505 = arith.constant 104 : i32
        %add3A_506 = arith.addi %add3A_505, %scan3A_429 : i32
        %get3A_507 = arith.index_cast %add3A_506 : i32 to index
        %get3A_508 = arith.constant 112 : index
        %get3A_509 = tpu.vector_load %arg6[%get3A_507, %get3A_508] {strides = array<i32>} : memref<200x128xf32, #tpu.memory_space<vmem>>, vector<1x16xf32>,
        %get3A_510 = vector.shape_cast %get3A_509 : vector<1x16xf32> to vector<16xf32>
        %swap3A_511 = arith.index_cast %scan3A_429 : i32 to index
        %swap3A_512 = arith.constant 112 : index
        %swap3A_513 = tpu.vector_load %arg9[%swap3A_511, %swap3A_512] {strides = array<i32>} : memref<104x128xf32, #tpu.memory_space<vmem>>, vector<1x16xf32>,
        %swap3A_514 = vector.shape_cast %swap3A_513 : vector<1x16xf32> to vector<16xf32>
        %swap3A_515 = vector.shape_cast %get3A_510 : vector<16xf32> to vector<1x16xf32>
        tpu.vector_store %arg9[%swap3A_511, %swap3A_512], %swap3A_515 {add = true, strides = array<i32>} : memref<104x128xf32, #tpu.memory_space<vmem>>, vector<1x16xf32>,
      }
      %scan3A_197 = arith.constant 96 : i32
      %jit3A_198 = arith.constant 2 : i32
      %div3A_199 = arith.divsi %add3A_144, %jit3A_198 : i32
      %sign3A_200 = arith.constant 0 : i32
      %sign3A_201 = arith.cmpi sgt, %add3A_144, %sign3A_200 : i32
      %sign3A_202 = arith.extui %sign3A_201 : i1 to i32
      %sign3A_203 = arith.constant 0 : i32
      %sign3A_204 = arith.cmpi slt, %add3A_144, %sign3A_203 : i32
      %sign3A_205 = arith.extui %sign3A_204 : i1 to i32
      %sign3A_206 = arith.subi %sign3A_202, %sign3A_205 : i32
      %sign3A_207 = arith.constant 0 : i32
      %sign3A_208 = arith.cmpi sgt, %jit3A_198, %sign3A_207 : i32
      %sign3A_209 = arith.extui %sign3A_208 : i1 to i32
      %sign3A_210 = arith.constant 0 : i32
      %sign3A_211 = arith.cmpi slt, %jit3A_198, %sign3A_210 : i32
      %sign3A_212 = arith.extui %sign3A_211 : i1 to i32
      %sign3A_213 = arith.subi %sign3A_209, %sign3A_212 : i32
      %ne3A_214 = arith.cmpi ne, %sign3A_206, %sign3A_213 : i32
      %rem3A_215 = arith.remsi %add3A_144, %jit3A_198 : i32
      %ne3A_216 = arith.constant 0 : i32
      %ne3A_217 = arith.cmpi ne, %rem3A_215, %ne3A_216 : i32
      %and3A_218 = arith.andi %ne3A_214, %ne3A_217 : i1
      %sub3A_219 = arith.constant 1 : i32
      %sub3A_220 = arith.subi %div3A_199, %sub3A_219 : i32
      %select_n3A_221 = arith.select %and3A_218, %sub3A_220, %div3A_199 : i32
      %add3A_222 = arith.addi %mul3A_2, %select_n3A_221 : i32
      %mul3A_223 = arith.constant 200 : i32
      %mul3A_224 = arith.muli %add3A_222, %mul3A_223 : i32
      %add3A_225 = arith.constant 104 : i32
      %add3A_226 = arith.addi %mul3A_224, %add3A_225 : i32
      %dma_start3A_227 = arith.constant 0 : i32
      %dma_start3A_228 = arith.constant 0 : i32
      %dma_start3A_229 = tpu.memref_slice %arg9[%dma_start3A_227, %dma_start3A_228] : memref<104x128xf32, #tpu.memory_space<vmem>> -> memref<96x128xf32, #tpu.memory_space<vmem>>
      %dma_start3A_230 = arith.constant 0 : i32
      %dma_start3A_231 = tpu.memref_slice %arg5[%add3A_226, %dma_start3A_230] : memref<819200x128xf32, #tpu.memory_space<hbm>> -> memref<96x128xf32, #tpu.memory_space<hbm>>
      %dma_start3A_232 = arith.constant 0 : i32
      %dma_start3A_233 = tpu.memref_slice %arg5[%add3A_226, %dma_start3A_232] : memref<819200x128xf32, #tpu.memory_space<hbm>> -> memref<96x128xf32, #tpu.memory_space<hbm>>
      %dma_start3A_234 = arith.constant 0 : i32
      %dma_start3A_235 = arith.constant 0 : i32
      %dma_start3A_236 = tpu.memref_slice %arg9[%dma_start3A_234, %dma_start3A_235] : memref<104x128xf32, #tpu.memory_space<vmem>> -> memref<96x128xf32, #tpu.memory_space<vmem>>
      tpu.enqueue_dma source(%dma_start3A_236 : memref<96x128xf32, #tpu.memory_space<vmem>>) target(%dma_start3A_233 : memref<96x128xf32, #tpu.memory_space<hbm>>) target_semaphore(%arg17 : memref<!tpu.dma_semaphore, #tpu.memory_space<semaphore_mem>>)
      %mul3A_237 = arith.constant 4 : i32
      %mul3A_238 = arith.muli %mul3A_237, %scan3A_56 : i32
      %add3A_239 = arith.constant 2 : i32
      %add3A_240 = arith.addi %mul3A_238, %add3A_239 : i32
      %ge3A_241 = arith.constant 2 : i32
      %ge3A_242 = arith.cmpi sge, %add3A_240, %ge3A_241 : i32
      %convert_element_type3A_243 = arith.extui %ge3A_242 : i1 to i32
      %cond3A_244 = arith.constant 0 : i32
      %cond3A_245 = arith.cmpi ne, %convert_element_type3A_243, %cond3A_244 : i32
      scf.if %cond3A_245 {
        %sub3A_429 = arith.constant 2 : i32
        %sub3A_430 = arith.subi %add3A_240, %sub3A_429 : i32
        %jit3A_431 = arith.constant 2 : i32
        %div3A_432 = arith.divsi %sub3A_430, %jit3A_431 : i32
        %sign3A_433 = arith.constant 0 : i32
        %sign3A_434 = arith.cmpi sgt, %sub3A_430, %sign3A_433 : i32
        %sign3A_435 = arith.extui %sign3A_434 : i1 to i32
        %sign3A_436 = arith.constant 0 : i32
        %sign3A_437 = arith.cmpi slt, %sub3A_430, %sign3A_436 : i32
        %sign3A_438 = arith.extui %sign3A_437 : i1 to i32
        %sign3A_439 = arith.subi %sign3A_435, %sign3A_438 : i32
        %sign3A_440 = arith.constant 0 : i32
        %sign3A_441 = arith.cmpi sgt, %jit3A_431, %sign3A_440 : i32
        %sign3A_442 = arith.extui %sign3A_441 : i1 to i32
        %sign3A_443 = arith.constant 0 : i32
        %sign3A_444 = arith.cmpi slt, %jit3A_431, %sign3A_443 : i32
        %sign3A_445 = arith.extui %sign3A_444 : i1 to i32
        %sign3A_446 = arith.subi %sign3A_442, %sign3A_445 : i32
        %ne3A_447 = arith.cmpi ne, %sign3A_439, %sign3A_446 : i32
        %rem3A_448 = arith.remsi %sub3A_430, %jit3A_431 : i32
        %ne3A_449 = arith.constant 0 : i32
        %ne3A_450 = arith.cmpi ne, %rem3A_448, %ne3A_449 : i32
        %and3A_451 = arith.andi %ne3A_447, %ne3A_450 : i1
        %sub3A_452 = arith.constant 1 : i32
        %sub3A_453 = arith.subi %div3A_432, %sub3A_452 : i32
        %select_n3A_454 = arith.select %and3A_451, %sub3A_453, %div3A_432 : i32
        %add3A_455 = arith.addi %mul3A_2, %select_n3A_454 : i32
        %mul3A_456 = arith.constant 200 : i32
        %mul3A_457 = arith.muli %add3A_455, %mul3A_456 : i32
        %add3A_458 = arith.constant 0 : i32
        %add3A_459 = arith.addi %mul3A_457, %add3A_458 : i32
        %dma_wait3A_460 = arith.constant 0 : i32
        %dma_wait3A_461 = arith.constant 0 : i32
        %dma_wait3A_462 = tpu.memref_slice %arg8[%dma_wait3A_460, %dma_wait3A_461] : memref<104x128xf32, #tpu.memory_space<vmem>> -> memref<104x128xf32, #tpu.memory_space<vmem>>
        %dma_wait3A_463 = arith.constant 0 : i32
        %dma_wait3A_464 = tpu.memref_slice %arg5[%add3A_459, %dma_wait3A_463] : memref<819200x128xf32, #tpu.memory_space<hbm>> -> memref<104x128xf32, #tpu.memory_space<hbm>>
        %dma_wait3A_465 = arith.constant 0 : i32
        %dma_wait3A_466 = tpu.memref_slice %arg5[%add3A_459, %dma_wait3A_465] : memref<819200x128xf32, #tpu.memory_space<hbm>> -> memref<104x128xf32, #tpu.memory_space<hbm>>
        %dma_wait3A_467 = arith.constant 0 : i32
        %dma_wait3A_468 = arith.constant 0 : i32
        %dma_wait3A_469 = tpu.memref_slice %arg8[%dma_wait3A_467, %dma_wait3A_468] : memref<104x128xf32, #tpu.memory_space<vmem>> -> memref<104x128xf32, #tpu.memory_space<vmem>>
        tpu.wait_dma2 semaphore(%arg16 : memref<!tpu.dma_semaphore, #tpu.memory_space<semaphore_mem>>) src(%dma_wait3A_469 : memref<104x128xf32, #tpu.memory_space<vmem>>) dst(%dma_wait3A_466 : memref<104x128xf32, #tpu.memory_space<hbm>>)
      } else {
      }
      %add3A_246 = arith.constant 2 : i32
      %add3A_247 = arith.addi %add3A_240, %add3A_246 : i32
      %lt3A_248 = arith.constant 256 : i32
      %lt3A_249 = arith.cmpi slt, %add3A_247, %lt3A_248 : i32
      %convert_element_type3A_250 = arith.extui %lt3A_249 : i1 to i32
      %cond3A_251 = arith.constant 0 : i32
      %cond3A_252 = arith.cmpi ne, %convert_element_type3A_250, %cond3A_251 : i32
      scf.if %cond3A_252 {
        %add3A_429 = arith.constant 2 : i32
        %add3A_430 = arith.addi %add3A_240, %add3A_429 : i32
        %jit3A_431 = arith.constant 2 : i32
        %div3A_432 = arith.divsi %add3A_430, %jit3A_431 : i32
        %sign3A_433 = arith.constant 0 : i32
        %sign3A_434 = arith.cmpi sgt, %add3A_430, %sign3A_433 : i32
        %sign3A_435 = arith.extui %sign3A_434 : i1 to i32
        %sign3A_436 = arith.constant 0 : i32
        %sign3A_437 = arith.cmpi slt, %add3A_430, %sign3A_436 : i32
        %sign3A_438 = arith.extui %sign3A_437 : i1 to i32
        %sign3A_439 = arith.subi %sign3A_435, %sign3A_438 : i32
        %sign3A_440 = arith.constant 0 : i32
        %sign3A_441 = arith.cmpi sgt, %jit3A_431, %sign3A_440 : i32
        %sign3A_442 = arith.extui %sign3A_441 : i1 to i32
        %sign3A_443 = arith.constant 0 : i32
        %sign3A_444 = arith.cmpi slt, %jit3A_431, %sign3A_443 : i32
        %sign3A_445 = arith.extui %sign3A_444 : i1 to i32
        %sign3A_446 = arith.subi %sign3A_442, %sign3A_445 : i32
        %ne3A_447 = arith.cmpi ne, %sign3A_439, %sign3A_446 : i32
        %rem3A_448 = arith.remsi %add3A_430, %jit3A_431 : i32
        %ne3A_449 = arith.constant 0 : i32
        %ne3A_450 = arith.cmpi ne, %rem3A_448, %ne3A_449 : i32
        %and3A_451 = arith.andi %ne3A_447, %ne3A_450 : i1
        %sub3A_452 = arith.constant 1 : i32
        %sub3A_453 = arith.subi %div3A_432, %sub3A_452 : i32
        %select_n3A_454 = arith.select %and3A_451, %sub3A_453, %div3A_432 : i32
        %mul3A_455 = arith.constant 200 : i32
        %mul3A_456 = arith.muli %select_n3A_454, %mul3A_455 : i32
        %add3A_457 = arith.constant 0 : i32
        %add3A_458 = arith.addi %mul3A_456, %add3A_457 : i32
        %dma_start3A_459 = arith.constant 0 : i32
        %dma_start3A_460 = arith.constant 0 : i32
        %dma_start3A_461 = tpu.memref_slice %arg8[%dma_start3A_459, %dma_start3A_460] : memref<104x128xf32, #tpu.memory_space<vmem>> -> memref<104x128xf32, #tpu.memory_space<vmem>>
        %dma_start3A_462 = tpu.memref_slice %arg7[%add3A_458] : memref<25600xi32, #tpu.memory_space<vmem>> -> memref<104xi32, #tpu.memory_space<vmem>>
        %dma_start3A_463 = arith.constant 0 : i32
        %dma_start3A_464 = arith.constant 0 : i32
        %dma_start3A_465 = tpu.memref_slice %arg3[%dma_start3A_463, %dma_start3A_464] : memref<100000x128xf32, #tpu.memory_space<hbm>> -> memref<100000x128xf32, #tpu.memory_space<hbm>>
        tpu.enqueue_indirect_dma source(%dma_start3A_465 : memref<100000x128xf32, #tpu.memory_space<hbm>>) target(%dma_start3A_461 : memref<104x128xf32, #tpu.memory_space<vmem>>) offsets(%dma_start3A_462 : memref<104xi32, #tpu.memory_space<vmem>>) semaphore(%arg12 : memref<!tpu.dma_semaphore, #tpu.memory_space<semaphore_mem>>)
      } else {
      }
      %jit3A_253 = arith.constant 2 : i32
      %div3A_254 = arith.divsi %add3A_240, %jit3A_253 : i32
      %sign3A_255 = arith.constant 0 : i32
      %sign3A_256 = arith.cmpi sgt, %add3A_240, %sign3A_255 : i32
      %sign3A_257 = arith.extui %sign3A_256 : i1 to i32
      %sign3A_258 = arith.constant 0 : i32
      %sign3A_259 = arith.cmpi slt, %add3A_240, %sign3A_258 : i32
      %sign3A_260 = arith.extui %sign3A_259 : i1 to i32
      %sign3A_261 = arith.subi %sign3A_257, %sign3A_260 : i32
      %sign3A_262 = arith.constant 0 : i32
      %sign3A_263 = arith.cmpi sgt, %jit3A_253, %sign3A_262 : i32
      %sign3A_264 = arith.extui %sign3A_263 : i1 to i32
      %sign3A_265 = arith.constant 0 : i32
      %sign3A_266 = arith.cmpi slt, %jit3A_253, %sign3A_265 : i32
      %sign3A_267 = arith.extui %sign3A_266 : i1 to i32
      %sign3A_268 = arith.subi %sign3A_264, %sign3A_267 : i32
      %ne3A_269 = arith.cmpi ne, %sign3A_261, %sign3A_268 : i32
      %rem3A_270 = arith.remsi %add3A_240, %jit3A_253 : i32
      %ne3A_271 = arith.constant 0 : i32
      %ne3A_272 = arith.cmpi ne, %rem3A_270, %ne3A_271 : i32
      %and3A_273 = arith.andi %ne3A_269, %ne3A_272 : i1
      %sub3A_274 = arith.constant 1 : i32
      %sub3A_275 = arith.subi %div3A_254, %sub3A_274 : i32
      %select_n3A_276 = arith.select %and3A_273, %sub3A_275, %div3A_254 : i32
      %mul3A_277 = arith.constant 200 : i32
      %mul3A_278 = arith.muli %select_n3A_276, %mul3A_277 : i32
      %add3A_279 = arith.constant 0 : i32
      %add3A_280 = arith.addi %mul3A_278, %add3A_279 : i32
      %dma_wait3A_281 = arith.constant 0 : i32
      %dma_wait3A_282 = arith.constant 0 : i32
      %dma_wait3A_283 = tpu.memref_slice %arg10[%dma_wait3A_281, %dma_wait3A_282] : memref<104x128xf32, #tpu.memory_space<vmem>> -> memref<104x128xf32, #tpu.memory_space<vmem>>
      %dma_wait3A_284 = tpu.memref_slice %arg7[%add3A_280] : memref<25600xi32, #tpu.memory_space<vmem>> -> memref<104xi32, #tpu.memory_space<vmem>>
      %dma_wait3A_285 = arith.constant 0 : i32
      %dma_wait3A_286 = arith.constant 0 : i32
      %dma_wait3A_287 = tpu.memref_slice %arg3[%dma_wait3A_285, %dma_wait3A_286] : memref<100000x128xf32, #tpu.memory_space<hbm>> -> memref<100000x128xf32, #tpu.memory_space<hbm>>
      tpu.wait_indirect_dma semaphore(%arg14 : memref<!tpu.dma_semaphore, #tpu.memory_space<semaphore_mem>>) src(%dma_wait3A_287 : memref<100000x128xf32, #tpu.memory_space<hbm>>) dst(%dma_wait3A_283 : memref<104x128xf32, #tpu.memory_space<vmem>>)
      %scan3A_288 = arith.constant 0 : i32
      %scan3A_289 = arith.constant 0 : i32
      %scan3A_290 = arith.constant 104 : i32
      %scan3A_291 = arith.addi %scan3A_289, %scan3A_290 : i32
      %scan3A_292 = arith.constant 1 : i32
      scf.for %scan3A_429 = %scan3A_289 to %scan3A_291 step %scan3A_292  : i32 {
        %add3A_430 = arith.constant 0 : i32
        %add3A_431 = arith.addi %add3A_430, %scan3A_429 : i32
        %get3A = arith.index_cast %add3A_431 : i32 to index
        %get3A_432 = arith.constant 0 : index
        %get3A_433 = tpu.vector_load %arg6[%get3A, %get3A_432] {strides = array<i32>} : memref<200x128xf32, #tpu.memory_space<vmem>>, vector<1x16xf32>,
        %get3A_434 = vector.shape_cast %get3A_433 : vector<1x16xf32> to vector<16xf32>
        %swap3A = arith.index_cast %scan3A_429 : i32 to index
        %swap3A_435 = arith.constant 0 : index
        %swap3A_436 = tpu.vector_load %arg10[%swap3A, %swap3A_435] {strides = array<i32>} : memref<104x128xf32, #tpu.memory_space<vmem>>, vector<1x16xf32>,
        %swap3A_437 = vector.shape_cast %swap3A_436 : vector<1x16xf32> to vector<16xf32>
        %swap3A_438 = vector.shape_cast %get3A_434 : vector<16xf32> to vector<1x16xf32>
        tpu.vector_store %arg10[%swap3A, %swap3A_435], %swap3A_438 {add = true, strides = array<i32>} : memref<104x128xf32, #tpu.memory_space<vmem>>, vector<1x16xf32>,
        %add3A_439 = arith.constant 0 : i32
        %add3A_440 = arith.addi %add3A_439, %scan3A_429 : i32
        %get3A_441 = arith.index_cast %add3A_440 : i32 to index
        %get3A_442 = arith.constant 16 : index
        %get3A_443 = tpu.vector_load %arg6[%get3A_441, %get3A_442] {strides = array<i32>} : memref<200x128xf32, #tpu.memory_space<vmem>>, vector<1x16xf32>,
        %get3A_444 = vector.shape_cast %get3A_443 : vector<1x16xf32> to vector<16xf32>
        %swap3A_445 = arith.index_cast %scan3A_429 : i32 to index
        %swap3A_446 = arith.constant 16 : index
        %swap3A_447 = tpu.vector_load %arg10[%swap3A_445, %swap3A_446] {strides = array<i32>} : memref<104x128xf32, #tpu.memory_space<vmem>>, vector<1x16xf32>,
        %swap3A_448 = vector.shape_cast %swap3A_447 : vector<1x16xf32> to vector<16xf32>
        %swap3A_449 = vector.shape_cast %get3A_444 : vector<16xf32> to vector<1x16xf32>
        tpu.vector_store %arg10[%swap3A_445, %swap3A_446], %swap3A_449 {add = true, strides = array<i32>} : memref<104x128xf32, #tpu.memory_space<vmem>>, vector<1x16xf32>,
        %add3A_450 = arith.constant 0 : i32
        %add3A_451 = arith.addi %add3A_450, %scan3A_429 : i32
        %get3A_452 = arith.index_cast %add3A_451 : i32 to index
        %get3A_453 = arith.constant 32 : index
        %get3A_454 = tpu.vector_load %arg6[%get3A_452, %get3A_453] {strides = array<i32>} : memref<200x128xf32, #tpu.memory_space<vmem>>, vector<1x16xf32>,
        %get3A_455 = vector.shape_cast %get3A_454 : vector<1x16xf32> to vector<16xf32>
        %swap3A_456 = arith.index_cast %scan3A_429 : i32 to index
        %swap3A_457 = arith.constant 32 : index
        %swap3A_458 = tpu.vector_load %arg10[%swap3A_456, %swap3A_457] {strides = array<i32>} : memref<104x128xf32, #tpu.memory_space<vmem>>, vector<1x16xf32>,
        %swap3A_459 = vector.shape_cast %swap3A_458 : vector<1x16xf32> to vector<16xf32>
        %swap3A_460 = vector.shape_cast %get3A_455 : vector<16xf32> to vector<1x16xf32>
        tpu.vector_store %arg10[%swap3A_456, %swap3A_457], %swap3A_460 {add = true, strides = array<i32>} : memref<104x128xf32, #tpu.memory_space<vmem>>, vector<1x16xf32>,
        %add3A_461 = arith.constant 0 : i32
        %add3A_462 = arith.addi %add3A_461, %scan3A_429 : i32
        %get3A_463 = arith.index_cast %add3A_462 : i32 to index
        %get3A_464 = arith.constant 48 : index
        %get3A_465 = tpu.vector_load %arg6[%get3A_463, %get3A_464] {strides = array<i32>} : memref<200x128xf32, #tpu.memory_space<vmem>>, vector<1x16xf32>,
        %get3A_466 = vector.shape_cast %get3A_465 : vector<1x16xf32> to vector<16xf32>
        %swap3A_467 = arith.index_cast %scan3A_429 : i32 to index
        %swap3A_468 = arith.constant 48 : index
        %swap3A_469 = tpu.vector_load %arg10[%swap3A_467, %swap3A_468] {strides = array<i32>} : memref<104x128xf32, #tpu.memory_space<vmem>>, vector<1x16xf32>,
        %swap3A_470 = vector.shape_cast %swap3A_469 : vector<1x16xf32> to vector<16xf32>
        %swap3A_471 = vector.shape_cast %get3A_466 : vector<16xf32> to vector<1x16xf32>
        tpu.vector_store %arg10[%swap3A_467, %swap3A_468], %swap3A_471 {add = true, strides = array<i32>} : memref<104x128xf32, #tpu.memory_space<vmem>>, vector<1x16xf32>,
        %add3A_472 = arith.constant 0 : i32
        %add3A_473 = arith.addi %add3A_472, %scan3A_429 : i32
        %get3A_474 = arith.index_cast %add3A_473 : i32 to index
        %get3A_475 = arith.constant 64 : index
        %get3A_476 = tpu.vector_load %arg6[%get3A_474, %get3A_475] {strides = array<i32>} : memref<200x128xf32, #tpu.memory_space<vmem>>, vector<1x16xf32>,
        %get3A_477 = vector.shape_cast %get3A_476 : vector<1x16xf32> to vector<16xf32>
        %swap3A_478 = arith.index_cast %scan3A_429 : i32 to index
        %swap3A_479 = arith.constant 64 : index
        %swap3A_480 = tpu.vector_load %arg10[%swap3A_478, %swap3A_479] {strides = array<i32>} : memref<104x128xf32, #tpu.memory_space<vmem>>, vector<1x16xf32>,
        %swap3A_481 = vector.shape_cast %swap3A_480 : vector<1x16xf32> to vector<16xf32>
        %swap3A_482 = vector.shape_cast %get3A_477 : vector<16xf32> to vector<1x16xf32>
        tpu.vector_store %arg10[%swap3A_478, %swap3A_479], %swap3A_482 {add = true, strides = array<i32>} : memref<104x128xf32, #tpu.memory_space<vmem>>, vector<1x16xf32>,
        %add3A_483 = arith.constant 0 : i32
        %add3A_484 = arith.addi %add3A_483, %scan3A_429 : i32
        %get3A_485 = arith.index_cast %add3A_484 : i32 to index
        %get3A_486 = arith.constant 80 : index
        %get3A_487 = tpu.vector_load %arg6[%get3A_485, %get3A_486] {strides = array<i32>} : memref<200x128xf32, #tpu.memory_space<vmem>>, vector<1x16xf32>,
        %get3A_488 = vector.shape_cast %get3A_487 : vector<1x16xf32> to vector<16xf32>
        %swap3A_489 = arith.index_cast %scan3A_429 : i32 to index
        %swap3A_490 = arith.constant 80 : index
        %swap3A_491 = tpu.vector_load %arg10[%swap3A_489, %swap3A_490] {strides = array<i32>} : memref<104x128xf32, #tpu.memory_space<vmem>>, vector<1x16xf32>,
        %swap3A_492 = vector.shape_cast %swap3A_491 : vector<1x16xf32> to vector<16xf32>
        %swap3A_493 = vector.shape_cast %get3A_488 : vector<16xf32> to vector<1x16xf32>
        tpu.vector_store %arg10[%swap3A_489, %swap3A_490], %swap3A_493 {add = true, strides = array<i32>} : memref<104x128xf32, #tpu.memory_space<vmem>>, vector<1x16xf32>,
        %add3A_494 = arith.constant 0 : i32
        %add3A_495 = arith.addi %add3A_494, %scan3A_429 : i32
        %get3A_496 = arith.index_cast %add3A_495 : i32 to index
        %get3A_497 = arith.constant 96 : index
        %get3A_498 = tpu.vector_load %arg6[%get3A_496, %get3A_497] {strides = array<i32>} : memref<200x128xf32, #tpu.memory_space<vmem>>, vector<1x16xf32>,
        %get3A_499 = vector.shape_cast %get3A_498 : vector<1x16xf32> to vector<16xf32>
        %swap3A_500 = arith.index_cast %scan3A_429 : i32 to index
        %swap3A_501 = arith.constant 96 : index
        %swap3A_502 = tpu.vector_load %arg10[%swap3A_500, %swap3A_501] {strides = array<i32>} : memref<104x128xf32, #tpu.memory_space<vmem>>, vector<1x16xf32>,
        %swap3A_503 = vector.shape_cast %swap3A_502 : vector<1x16xf32> to vector<16xf32>
        %swap3A_504 = vector.shape_cast %get3A_499 : vector<16xf32> to vector<1x16xf32>
        tpu.vector_store %arg10[%swap3A_500, %swap3A_501], %swap3A_504 {add = true, strides = array<i32>} : memref<104x128xf32, #tpu.memory_space<vmem>>, vector<1x16xf32>,
        %add3A_505 = arith.constant 0 : i32
        %add3A_506 = arith.addi %add3A_505, %scan3A_429 : i32
        %get3A_507 = arith.index_cast %add3A_506 : i32 to index
        %get3A_508 = arith.constant 112 : index
        %get3A_509 = tpu.vector_load %arg6[%get3A_507, %get3A_508] {strides = array<i32>} : memref<200x128xf32, #tpu.memory_space<vmem>>, vector<1x16xf32>,
        %get3A_510 = vector.shape_cast %get3A_509 : vector<1x16xf32> to vector<16xf32>
        %swap3A_511 = arith.index_cast %scan3A_429 : i32 to index
        %swap3A_512 = arith.constant 112 : index
        %swap3A_513 = tpu.vector_load %arg10[%swap3A_511, %swap3A_512] {strides = array<i32>} : memref<104x128xf32, #tpu.memory_space<vmem>>, vector<1x16xf32>,
        %swap3A_514 = vector.shape_cast %swap3A_513 : vector<1x16xf32> to vector<16xf32>
        %swap3A_515 = vector.shape_cast %get3A_510 : vector<16xf32> to vector<1x16xf32>
        tpu.vector_store %arg10[%swap3A_511, %swap3A_512], %swap3A_515 {add = true, strides = array<i32>} : memref<104x128xf32, #tpu.memory_space<vmem>>, vector<1x16xf32>,
      }
      %scan3A_293 = arith.constant 104 : i32
      %jit3A_294 = arith.constant 2 : i32
      %div3A_295 = arith.divsi %add3A_240, %jit3A_294 : i32
      %sign3A_296 = arith.constant 0 : i32
      %sign3A_297 = arith.cmpi sgt, %add3A_240, %sign3A_296 : i32
      %sign3A_298 = arith.extui %sign3A_297 : i1 to i32
      %sign3A_299 = arith.constant 0 : i32
      %sign3A_300 = arith.cmpi slt, %add3A_240, %sign3A_299 : i32
      %sign3A_301 = arith.extui %sign3A_300 : i1 to i32
      %sign3A_302 = arith.subi %sign3A_298, %sign3A_301 : i32
      %sign3A_303 = arith.constant 0 : i32
      %sign3A_304 = arith.cmpi sgt, %jit3A_294, %sign3A_303 : i32
      %sign3A_305 = arith.extui %sign3A_304 : i1 to i32
      %sign3A_306 = arith.constant 0 : i32
      %sign3A_307 = arith.cmpi slt, %jit3A_294, %sign3A_306 : i32
      %sign3A_308 = arith.extui %sign3A_307 : i1 to i32
      %sign3A_309 = arith.subi %sign3A_305, %sign3A_308 : i32
      %ne3A_310 = arith.cmpi ne, %sign3A_302, %sign3A_309 : i32
      %rem3A_311 = arith.remsi %add3A_240, %jit3A_294 : i32
      %ne3A_312 = arith.constant 0 : i32
      %ne3A_313 = arith.cmpi ne, %rem3A_311, %ne3A_312 : i32
      %and3A_314 = arith.andi %ne3A_310, %ne3A_313 : i1
      %sub3A_315 = arith.constant 1 : i32
      %sub3A_316 = arith.subi %div3A_295, %sub3A_315 : i32
      %select_n3A_317 = arith.select %and3A_314, %sub3A_316, %div3A_295 : i32
      %add3A_318 = arith.addi %mul3A_2, %select_n3A_317 : i32
      %mul3A_319 = arith.constant 200 : i32
      %mul3A_320 = arith.muli %add3A_318, %mul3A_319 : i32
      %add3A_321 = arith.constant 0 : i32
      %add3A_322 = arith.addi %mul3A_320, %add3A_321 : i32
      %dma_start3A_323 = arith.constant 0 : i32
      %dma_start3A_324 = arith.constant 0 : i32
      %dma_start3A_325 = tpu.memref_slice %arg10[%dma_start3A_323, %dma_start3A_324] : memref<104x128xf32, #tpu.memory_space<vmem>> -> memref<104x128xf32, #tpu.memory_space<vmem>>
      %dma_start3A_326 = arith.constant 0 : i32
      %dma_start3A_327 = tpu.memref_slice %arg5[%add3A_322, %dma_start3A_326] : memref<819200x128xf32, #tpu.memory_space<hbm>> -> memref<104x128xf32, #tpu.memory_space<hbm>>
      %dma_start3A_328 = arith.constant 0 : i32
      %dma_start3A_329 = tpu.memref_slice %arg5[%add3A_322, %dma_start3A_328] : memref<819200x128xf32, #tpu.memory_space<hbm>> -> memref<104x128xf32, #tpu.memory_space<hbm>>
      %dma_start3A_330 = arith.constant 0 : i32
      %dma_start3A_331 = arith.constant 0 : i32
      %dma_start3A_332 = tpu.memref_slice %arg10[%dma_start3A_330, %dma_start3A_331] : memref<104x128xf32, #tpu.memory_space<vmem>> -> memref<104x128xf32, #tpu.memory_space<vmem>>
      tpu.enqueue_dma source(%dma_start3A_332 : memref<104x128xf32, #tpu.memory_space<vmem>>) target(%dma_start3A_329 : memref<104x128xf32, #tpu.memory_space<hbm>>) target_semaphore(%arg18 : memref<!tpu.dma_semaphore, #tpu.memory_space<semaphore_mem>>)
      %mul3A_333 = arith.constant 4 : i32
      %mul3A_334 = arith.muli %mul3A_333, %scan3A_56 : i32
      %add3A_335 = arith.constant 3 : i32
      %add3A_336 = arith.addi %mul3A_334, %add3A_335 : i32
      %ge3A_337 = arith.constant 2 : i32
      %ge3A_338 = arith.cmpi sge, %add3A_336, %ge3A_337 : i32
      %convert_element_type3A_339 = arith.extui %ge3A_338 : i1 to i32
      %cond3A_340 = arith.constant 0 : i32
      %cond3A_341 = arith.cmpi ne, %convert_element_type3A_339, %cond3A_340 : i32
      scf.if %cond3A_341 {
        %sub3A_429 = arith.constant 2 : i32
        %sub3A_430 = arith.subi %add3A_336, %sub3A_429 : i32
        %jit3A_431 = arith.constant 2 : i32
        %div3A_432 = arith.divsi %sub3A_430, %jit3A_431 : i32
        %sign3A_433 = arith.constant 0 : i32
        %sign3A_434 = arith.cmpi sgt, %sub3A_430, %sign3A_433 : i32
        %sign3A_435 = arith.extui %sign3A_434 : i1 to i32
        %sign3A_436 = arith.constant 0 : i32
        %sign3A_437 = arith.cmpi slt, %sub3A_430, %sign3A_436 : i32
        %sign3A_438 = arith.extui %sign3A_437 : i1 to i32
        %sign3A_439 = arith.subi %sign3A_435, %sign3A_438 : i32
        %sign3A_440 = arith.constant 0 : i32
        %sign3A_441 = arith.cmpi sgt, %jit3A_431, %sign3A_440 : i32
        %sign3A_442 = arith.extui %sign3A_441 : i1 to i32
        %sign3A_443 = arith.constant 0 : i32
        %sign3A_444 = arith.cmpi slt, %jit3A_431, %sign3A_443 : i32
        %sign3A_445 = arith.extui %sign3A_444 : i1 to i32
        %sign3A_446 = arith.subi %sign3A_442, %sign3A_445 : i32
        %ne3A_447 = arith.cmpi ne, %sign3A_439, %sign3A_446 : i32
        %rem3A_448 = arith.remsi %sub3A_430, %jit3A_431 : i32
        %ne3A_449 = arith.constant 0 : i32
        %ne3A_450 = arith.cmpi ne, %rem3A_448, %ne3A_449 : i32
        %and3A_451 = arith.andi %ne3A_447, %ne3A_450 : i1
        %sub3A_452 = arith.constant 1 : i32
        %sub3A_453 = arith.subi %div3A_432, %sub3A_452 : i32
        %select_n3A_454 = arith.select %and3A_451, %sub3A_453, %div3A_432 : i32
        %add3A_455 = arith.addi %mul3A_2, %select_n3A_454 : i32
        %mul3A_456 = arith.constant 200 : i32
        %mul3A_457 = arith.muli %add3A_455, %mul3A_456 : i32
        %add3A_458 = arith.constant 104 : i32
        %add3A_459 = arith.addi %mul3A_457, %add3A_458 : i32
        %dma_wait3A_460 = arith.constant 0 : i32
        %dma_wait3A_461 = arith.constant 0 : i32
        %dma_wait3A_462 = tpu.memref_slice %arg9[%dma_wait3A_460, %dma_wait3A_461] : memref<104x128xf32, #tpu.memory_space<vmem>> -> memref<96x128xf32, #tpu.memory_space<vmem>>
        %dma_wait3A_463 = arith.constant 0 : i32
        %dma_wait3A_464 = tpu.memref_slice %arg5[%add3A_459, %dma_wait3A_463] : memref<819200x128xf32, #tpu.memory_space<hbm>> -> memref<96x128xf32, #tpu.memory_space<hbm>>
        %dma_wait3A_465 = arith.constant 0 : i32
        %dma_wait3A_466 = tpu.memref_slice %arg5[%add3A_459, %dma_wait3A_465] : memref<819200x128xf32, #tpu.memory_space<hbm>> -> memref<96x128xf32, #tpu.memory_space<hbm>>
        %dma_wait3A_467 = arith.constant 0 : i32
        %dma_wait3A_468 = arith.constant 0 : i32
        %dma_wait3A_469 = tpu.memref_slice %arg9[%dma_wait3A_467, %dma_wait3A_468] : memref<104x128xf32, #tpu.memory_space<vmem>> -> memref<96x128xf32, #tpu.memory_space<vmem>>
        tpu.wait_dma2 semaphore(%arg17 : memref<!tpu.dma_semaphore, #tpu.memory_space<semaphore_mem>>) src(%dma_wait3A_469 : memref<96x128xf32, #tpu.memory_space<vmem>>) dst(%dma_wait3A_466 : memref<96x128xf32, #tpu.memory_space<hbm>>)
      } else {
      }
      %add3A_342 = arith.constant 2 : i32
      %add3A_343 = arith.addi %add3A_336, %add3A_342 : i32
      %lt3A_344 = arith.constant 256 : i32
      %lt3A_345 = arith.cmpi slt, %add3A_343, %lt3A_344 : i32
      %convert_element_type3A_346 = arith.extui %lt3A_345 : i1 to i32
      %cond3A_347 = arith.constant 0 : i32
      %cond3A_348 = arith.cmpi ne, %convert_element_type3A_346, %cond3A_347 : i32
      scf.if %cond3A_348 {
        %add3A_429 = arith.constant 2 : i32
        %add3A_430 = arith.addi %add3A_336, %add3A_429 : i32
        %jit3A_431 = arith.constant 2 : i32
        %div3A_432 = arith.divsi %add3A_430, %jit3A_431 : i32
        %sign3A_433 = arith.constant 0 : i32
        %sign3A_434 = arith.cmpi sgt, %add3A_430, %sign3A_433 : i32
        %sign3A_435 = arith.extui %sign3A_434 : i1 to i32
        %sign3A_436 = arith.constant 0 : i32
        %sign3A_437 = arith.cmpi slt, %add3A_430, %sign3A_436 : i32
        %sign3A_438 = arith.extui %sign3A_437 : i1 to i32
        %sign3A_439 = arith.subi %sign3A_435, %sign3A_438 : i32
        %sign3A_440 = arith.constant 0 : i32
        %sign3A_441 = arith.cmpi sgt, %jit3A_431, %sign3A_440 : i32
        %sign3A_442 = arith.extui %sign3A_441 : i1 to i32
        %sign3A_443 = arith.constant 0 : i32
        %sign3A_444 = arith.cmpi slt, %jit3A_431, %sign3A_443 : i32
        %sign3A_445 = arith.extui %sign3A_444 : i1 to i32
        %sign3A_446 = arith.subi %sign3A_442, %sign3A_445 : i32
        %ne3A_447 = arith.cmpi ne, %sign3A_439, %sign3A_446 : i32
        %rem3A_448 = arith.remsi %add3A_430, %jit3A_431 : i32
        %ne3A_449 = arith.constant 0 : i32
        %ne3A_450 = arith.cmpi ne, %rem3A_448, %ne3A_449 : i32
        %and3A_451 = arith.andi %ne3A_447, %ne3A_450 : i1
        %sub3A_452 = arith.constant 1 : i32
        %sub3A_453 = arith.subi %div3A_432, %sub3A_452 : i32
        %select_n3A_454 = arith.select %and3A_451, %sub3A_453, %div3A_432 : i32
        %mul3A_455 = arith.constant 200 : i32
        %mul3A_456 = arith.muli %select_n3A_454, %mul3A_455 : i32
        %add3A_457 = arith.constant 104 : i32
        %add3A_458 = arith.addi %mul3A_456, %add3A_457 : i32
        %dma_start3A_459 = arith.constant 0 : i32
        %dma_start3A_460 = arith.constant 0 : i32
        %dma_start3A_461 = tpu.memref_slice %arg9[%dma_start3A_459, %dma_start3A_460] : memref<104x128xf32, #tpu.memory_space<vmem>> -> memref<96x128xf32, #tpu.memory_space<vmem>>
        %dma_start3A_462 = tpu.memref_slice %arg7[%add3A_458] : memref<25600xi32, #tpu.memory_space<vmem>> -> memref<96xi32, #tpu.memory_space<vmem>>
        %dma_start3A_463 = arith.constant 0 : i32
        %dma_start3A_464 = arith.constant 0 : i32
        %dma_start3A_465 = tpu.memref_slice %arg3[%dma_start3A_463, %dma_start3A_464] : memref<100000x128xf32, #tpu.memory_space<hbm>> -> memref<100000x128xf32, #tpu.memory_space<hbm>>
        tpu.enqueue_indirect_dma source(%dma_start3A_465 : memref<100000x128xf32, #tpu.memory_space<hbm>>) target(%dma_start3A_461 : memref<96x128xf32, #tpu.memory_space<vmem>>) offsets(%dma_start3A_462 : memref<96xi32, #tpu.memory_space<vmem>>) semaphore(%arg13 : memref<!tpu.dma_semaphore, #tpu.memory_space<semaphore_mem>>)
      } else {
      }
      %jit3A_349 = arith.constant 2 : i32
      %div3A_350 = arith.divsi %add3A_336, %jit3A_349 : i32
      %sign3A_351 = arith.constant 0 : i32
      %sign3A_352 = arith.cmpi sgt, %add3A_336, %sign3A_351 : i32
      %sign3A_353 = arith.extui %sign3A_352 : i1 to i32
      %sign3A_354 = arith.constant 0 : i32
      %sign3A_355 = arith.cmpi slt, %add3A_336, %sign3A_354 : i32
      %sign3A_356 = arith.extui %sign3A_355 : i1 to i32
      %sign3A_357 = arith.subi %sign3A_353, %sign3A_356 : i32
      %sign3A_358 = arith.constant 0 : i32
      %sign3A_359 = arith.cmpi sgt, %jit3A_349, %sign3A_358 : i32
      %sign3A_360 = arith.extui %sign3A_359 : i1 to i32
      %sign3A_361 = arith.constant 0 : i32
      %sign3A_362 = arith.cmpi slt, %jit3A_349, %sign3A_361 : i32
      %sign3A_363 = arith.extui %sign3A_362 : i1 to i32
      %sign3A_364 = arith.subi %sign3A_360, %sign3A_363 : i32
      %ne3A_365 = arith.cmpi ne, %sign3A_357, %sign3A_364 : i32
      %rem3A_366 = arith.remsi %add3A_336, %jit3A_349 : i32
      %ne3A_367 = arith.constant 0 : i32
      %ne3A_368 = arith.cmpi ne, %rem3A_366, %ne3A_367 : i32
      %and3A_369 = arith.andi %ne3A_365, %ne3A_368 : i1
      %sub3A_370 = arith.constant 1 : i32
      %sub3A_371 = arith.subi %div3A_350, %sub3A_370 : i32
      %select_n3A_372 = arith.select %and3A_369, %sub3A_371, %div3A_350 : i32
      %mul3A_373 = arith.constant 200 : i32
      %mul3A_374 = arith.muli %select_n3A_372, %mul3A_373 : i32
      %add3A_375 = arith.constant 104 : i32
      %add3A_376 = arith.addi %mul3A_374, %add3A_375 : i32
      %dma_wait3A_377 = arith.constant 0 : i32
      %dma_wait3A_378 = arith.constant 0 : i32
      %dma_wait3A_379 = tpu.memref_slice %arg11[%dma_wait3A_377, %dma_wait3A_378] : memref<104x128xf32, #tpu.memory_space<vmem>> -> memref<96x128xf32, #tpu.memory_space<vmem>>
      %dma_wait3A_380 = tpu.memref_slice %arg7[%add3A_376] : memref<25600xi32, #tpu.memory_space<vmem>> -> memref<96xi32, #tpu.memory_space<vmem>>
      %dma_wait3A_381 = arith.constant 0 : i32
      %dma_wait3A_382 = arith.constant 0 : i32
      %dma_wait3A_383 = tpu.memref_slice %arg3[%dma_wait3A_381, %dma_wait3A_382] : memref<100000x128xf32, #tpu.memory_space<hbm>> -> memref<100000x128xf32, #tpu.memory_space<hbm>>
      tpu.wait_indirect_dma semaphore(%arg15 : memref<!tpu.dma_semaphore, #tpu.memory_space<semaphore_mem>>) src(%dma_wait3A_383 : memref<100000x128xf32, #tpu.memory_space<hbm>>) dst(%dma_wait3A_379 : memref<96x128xf32, #tpu.memory_space<vmem>>)
      %scan3A_384 = arith.constant 0 : i32
      %scan3A_385 = arith.constant 0 : i32
      %scan3A_386 = arith.constant 96 : i32
      %scan3A_387 = arith.addi %scan3A_385, %scan3A_386 : i32
      %scan3A_388 = arith.constant 1 : i32
      scf.for %scan3A_429 = %scan3A_385 to %scan3A_387 step %scan3A_388  : i32 {
        %add3A_430 = arith.constant 104 : i32
        %add3A_431 = arith.addi %add3A_430, %scan3A_429 : i32
        %get3A = arith.index_cast %add3A_431 : i32 to index
        %get3A_432 = arith.constant 0 : index
        %get3A_433 = tpu.vector_load %arg6[%get3A, %get3A_432] {strides = array<i32>} : memref<200x128xf32, #tpu.memory_space<vmem>>, vector<1x16xf32>,
        %get3A_434 = vector.shape_cast %get3A_433 : vector<1x16xf32> to vector<16xf32>
        %swap3A = arith.index_cast %scan3A_429 : i32 to index
        %swap3A_435 = arith.constant 0 : index
        %swap3A_436 = tpu.vector_load %arg11[%swap3A, %swap3A_435] {strides = array<i32>} : memref<104x128xf32, #tpu.memory_space<vmem>>, vector<1x16xf32>,
        %swap3A_437 = vector.shape_cast %swap3A_436 : vector<1x16xf32> to vector<16xf32>
        %swap3A_438 = vector.shape_cast %get3A_434 : vector<16xf32> to vector<1x16xf32>
        tpu.vector_store %arg11[%swap3A, %swap3A_435], %swap3A_438 {add = true, strides = array<i32>} : memref<104x128xf32, #tpu.memory_space<vmem>>, vector<1x16xf32>,
        %add3A_439 = arith.constant 104 : i32
        %add3A_440 = arith.addi %add3A_439, %scan3A_429 : i32
        %get3A_441 = arith.index_cast %add3A_440 : i32 to index
        %get3A_442 = arith.constant 16 : index
        %get3A_443 = tpu.vector_load %arg6[%get3A_441, %get3A_442] {strides = array<i32>} : memref<200x128xf32, #tpu.memory_space<vmem>>, vector<1x16xf32>,
        %get3A_444 = vector.shape_cast %get3A_443 : vector<1x16xf32> to vector<16xf32>
        %swap3A_445 = arith.index_cast %scan3A_429 : i32 to index
        %swap3A_446 = arith.constant 16 : index
        %swap3A_447 = tpu.vector_load %arg11[%swap3A_445, %swap3A_446] {strides = array<i32>} : memref<104x128xf32, #tpu.memory_space<vmem>>, vector<1x16xf32>,
        %swap3A_448 = vector.shape_cast %swap3A_447 : vector<1x16xf32> to vector<16xf32>
        %swap3A_449 = vector.shape_cast %get3A_444 : vector<16xf32> to vector<1x16xf32>
        tpu.vector_store %arg11[%swap3A_445, %swap3A_446], %swap3A_449 {add = true, strides = array<i32>} : memref<104x128xf32, #tpu.memory_space<vmem>>, vector<1x16xf32>,
        %add3A_450 = arith.constant 104 : i32
        %add3A_451 = arith.addi %add3A_450, %scan3A_429 : i32
        %get3A_452 = arith.index_cast %add3A_451 : i32 to index
        %get3A_453 = arith.constant 32 : index
        %get3A_454 = tpu.vector_load %arg6[%get3A_452, %get3A_453] {strides = array<i32>} : memref<200x128xf32, #tpu.memory_space<vmem>>, vector<1x16xf32>,
        %get3A_455 = vector.shape_cast %get3A_454 : vector<1x16xf32> to vector<16xf32>
        %swap3A_456 = arith.index_cast %scan3A_429 : i32 to index
        %swap3A_457 = arith.constant 32 : index
        %swap3A_458 = tpu.vector_load %arg11[%swap3A_456, %swap3A_457] {strides = array<i32>} : memref<104x128xf32, #tpu.memory_space<vmem>>, vector<1x16xf32>,
        %swap3A_459 = vector.shape_cast %swap3A_458 : vector<1x16xf32> to vector<16xf32>
        %swap3A_460 = vector.shape_cast %get3A_455 : vector<16xf32> to vector<1x16xf32>
        tpu.vector_store %arg11[%swap3A_456, %swap3A_457], %swap3A_460 {add = true, strides = array<i32>} : memref<104x128xf32, #tpu.memory_space<vmem>>, vector<1x16xf32>,
        %add3A_461 = arith.constant 104 : i32
        %add3A_462 = arith.addi %add3A_461, %scan3A_429 : i32
        %get3A_463 = arith.index_cast %add3A_462 : i32 to index
        %get3A_464 = arith.constant 48 : index
        %get3A_465 = tpu.vector_load %arg6[%get3A_463, %get3A_464] {strides = array<i32>} : memref<200x128xf32, #tpu.memory_space<vmem>>, vector<1x16xf32>,
        %get3A_466 = vector.shape_cast %get3A_465 : vector<1x16xf32> to vector<16xf32>
        %swap3A_467 = arith.index_cast %scan3A_429 : i32 to index
        %swap3A_468 = arith.constant 48 : index
        %swap3A_469 = tpu.vector_load %arg11[%swap3A_467, %swap3A_468] {strides = array<i32>} : memref<104x128xf32, #tpu.memory_space<vmem>>, vector<1x16xf32>,
        %swap3A_470 = vector.shape_cast %swap3A_469 : vector<1x16xf32> to vector<16xf32>
        %swap3A_471 = vector.shape_cast %get3A_466 : vector<16xf32> to vector<1x16xf32>
        tpu.vector_store %arg11[%swap3A_467, %swap3A_468], %swap3A_471 {add = true, strides = array<i32>} : memref<104x128xf32, #tpu.memory_space<vmem>>, vector<1x16xf32>,
        %add3A_472 = arith.constant 104 : i32
        %add3A_473 = arith.addi %add3A_472, %scan3A_429 : i32
        %get3A_474 = arith.index_cast %add3A_473 : i32 to index
        %get3A_475 = arith.constant 64 : index
        %get3A_476 = tpu.vector_load %arg6[%get3A_474, %get3A_475] {strides = array<i32>} : memref<200x128xf32, #tpu.memory_space<vmem>>, vector<1x16xf32>,
        %get3A_477 = vector.shape_cast %get3A_476 : vector<1x16xf32> to vector<16xf32>
        %swap3A_478 = arith.index_cast %scan3A_429 : i32 to index
        %swap3A_479 = arith.constant 64 : index
        %swap3A_480 = tpu.vector_load %arg11[%swap3A_478, %swap3A_479] {strides = array<i32>} : memref<104x128xf32, #tpu.memory_space<vmem>>, vector<1x16xf32>,
        %swap3A_481 = vector.shape_cast %swap3A_480 : vector<1x16xf32> to vector<16xf32>
        %swap3A_482 = vector.shape_cast %get3A_477 : vector<16xf32> to vector<1x16xf32>
        tpu.vector_store %arg11[%swap3A_478, %swap3A_479], %swap3A_482 {add = true, strides = array<i32>} : memref<104x128xf32, #tpu.memory_space<vmem>>, vector<1x16xf32>,
        %add3A_483 = arith.constant 104 : i32
        %add3A_484 = arith.addi %add3A_483, %scan3A_429 : i32
        %get3A_485 = arith.index_cast %add3A_484 : i32 to index
        %get3A_486 = arith.constant 80 : index
        %get3A_487 = tpu.vector_load %arg6[%get3A_485, %get3A_486] {strides = array<i32>} : memref<200x128xf32, #tpu.memory_space<vmem>>, vector<1x16xf32>,
        %get3A_488 = vector.shape_cast %get3A_487 : vector<1x16xf32> to vector<16xf32>
        %swap3A_489 = arith.index_cast %scan3A_429 : i32 to index
        %swap3A_490 = arith.constant 80 : index
        %swap3A_491 = tpu.vector_load %arg11[%swap3A_489, %swap3A_490] {strides = array<i32>} : memref<104x128xf32, #tpu.memory_space<vmem>>, vector<1x16xf32>,
        %swap3A_492 = vector.shape_cast %swap3A_491 : vector<1x16xf32> to vector<16xf32>
        %swap3A_493 = vector.shape_cast %get3A_488 : vector<16xf32> to vector<1x16xf32>
        tpu.vector_store %arg11[%swap3A_489, %swap3A_490], %swap3A_493 {add = true, strides = array<i32>} : memref<104x128xf32, #tpu.memory_space<vmem>>, vector<1x16xf32>,
        %add3A_494 = arith.constant 104 : i32
        %add3A_495 = arith.addi %add3A_494, %scan3A_429 : i32
        %get3A_496 = arith.index_cast %add3A_495 : i32 to index
        %get3A_497 = arith.constant 96 : index
        %get3A_498 = tpu.vector_load %arg6[%get3A_496, %get3A_497] {strides = array<i32>} : memref<200x128xf32, #tpu.memory_space<vmem>>, vector<1x16xf32>,
        %get3A_499 = vector.shape_cast %get3A_498 : vector<1x16xf32> to vector<16xf32>
        %swap3A_500 = arith.index_cast %scan3A_429 : i32 to index
        %swap3A_501 = arith.constant 96 : index
        %swap3A_502 = tpu.vector_load %arg11[%swap3A_500, %swap3A_501] {strides = array<i32>} : memref<104x128xf32, #tpu.memory_space<vmem>>, vector<1x16xf32>,
        %swap3A_503 = vector.shape_cast %swap3A_502 : vector<1x16xf32> to vector<16xf32>
        %swap3A_504 = vector.shape_cast %get3A_499 : vector<16xf32> to vector<1x16xf32>
        tpu.vector_store %arg11[%swap3A_500, %swap3A_501], %swap3A_504 {add = true, strides = array<i32>} : memref<104x128xf32, #tpu.memory_space<vmem>>, vector<1x16xf32>,
        %add3A_505 = arith.constant 104 : i32
        %add3A_506 = arith.addi %add3A_505, %scan3A_429 : i32
        %get3A_507 = arith.index_cast %add3A_506 : i32 to index
        %get3A_508 = arith.constant 112 : index
        %get3A_509 = tpu.vector_load %arg6[%get3A_507, %get3A_508] {strides = array<i32>} : memref<200x128xf32, #tpu.memory_space<vmem>>, vector<1x16xf32>,
        %get3A_510 = vector.shape_cast %get3A_509 : vector<1x16xf32> to vector<16xf32>
        %swap3A_511 = arith.index_cast %scan3A_429 : i32 to index
        %swap3A_512 = arith.constant 112 : index
        %swap3A_513 = tpu.vector_load %arg11[%swap3A_511, %swap3A_512] {strides = array<i32>} : memref<104x128xf32, #tpu.memory_space<vmem>>, vector<1x16xf32>,
        %swap3A_514 = vector.shape_cast %swap3A_513 : vector<1x16xf32> to vector<16xf32>
        %swap3A_515 = vector.shape_cast %get3A_510 : vector<16xf32> to vector<1x16xf32>
        tpu.vector_store %arg11[%swap3A_511, %swap3A_512], %swap3A_515 {add = true, strides = array<i32>} : memref<104x128xf32, #tpu.memory_space<vmem>>, vector<1x16xf32>,
      }
      %scan3A_389 = arith.constant 96 : i32
      %jit3A_390 = arith.constant 2 : i32
      %div3A_391 = arith.divsi %add3A_336, %jit3A_390 : i32
      %sign3A_392 = arith.constant 0 : i32
      %sign3A_393 = arith.cmpi sgt, %add3A_336, %sign3A_392 : i32
      %sign3A_394 = arith.extui %sign3A_393 : i1 to i32
      %sign3A_395 = arith.constant 0 : i32
      %sign3A_396 = arith.cmpi slt, %add3A_336, %sign3A_395 : i32
      %sign3A_397 = arith.extui %sign3A_396 : i1 to i32
      %sign3A_398 = arith.subi %sign3A_394, %sign3A_397 : i32
      %sign3A_399 = arith.constant 0 : i32
      %sign3A_400 = arith.cmpi sgt, %jit3A_390, %sign3A_399 : i32
      %sign3A_401 = arith.extui %sign3A_400 : i1 to i32
      %sign3A_402 = arith.constant 0 : i32
      %sign3A_403 = arith.cmpi slt, %jit3A_390, %sign3A_402 : i32
      %sign3A_404 = arith.extui %sign3A_403 : i1 to i32
      %sign3A_405 = arith.subi %sign3A_401, %sign3A_404 : i32
      %ne3A_406 = arith.cmpi ne, %sign3A_398, %sign3A_405 : i32
      %rem3A_407 = arith.remsi %add3A_336, %jit3A_390 : i32
      %ne3A_408 = arith.constant 0 : i32
      %ne3A_409 = arith.cmpi ne, %rem3A_407, %ne3A_408 : i32
      %and3A_410 = arith.andi %ne3A_406, %ne3A_409 : i1
      %sub3A_411 = arith.constant 1 : i32
      %sub3A_412 = arith.subi %div3A_391, %sub3A_411 : i32
      %select_n3A_413 = arith.select %and3A_410, %sub3A_412, %div3A_391 : i32
      %add3A_414 = arith.addi %mul3A_2, %select_n3A_413 : i32
      %mul3A_415 = arith.constant 200 : i32
      %mul3A_416 = arith.muli %add3A_414, %mul3A_415 : i32
      %add3A_417 = arith.constant 104 : i32
      %add3A_418 = arith.addi %mul3A_416, %add3A_417 : i32
      %dma_start3A_419 = arith.constant 0 : i32
      %dma_start3A_420 = arith.constant 0 : i32
      %dma_start3A_421 = tpu.memref_slice %arg11[%dma_start3A_419, %dma_start3A_420] : memref<104x128xf32, #tpu.memory_space<vmem>> -> memref<96x128xf32, #tpu.memory_space<vmem>>
      %dma_start3A_422 = arith.constant 0 : i32
      %dma_start3A_423 = tpu.memref_slice %arg5[%add3A_418, %dma_start3A_422] : memref<819200x128xf32, #tpu.memory_space<hbm>> -> memref<96x128xf32, #tpu.memory_space<hbm>>
      %dma_start3A_424 = arith.constant 0 : i32
      %dma_start3A_425 = tpu.memref_slice %arg5[%add3A_418, %dma_start3A_424] : memref<819200x128xf32, #tpu.memory_space<hbm>> -> memref<96x128xf32, #tpu.memory_space<hbm>>
      %dma_start3A_426 = arith.constant 0 : i32
      %dma_start3A_427 = arith.constant 0 : i32
      %dma_start3A_428 = tpu.memref_slice %arg11[%dma_start3A_426, %dma_start3A_427] : memref<104x128xf32, #tpu.memory_space<vmem>> -> memref<96x128xf32, #tpu.memory_space<vmem>>
      tpu.enqueue_dma source(%dma_start3A_428 : memref<96x128xf32, #tpu.memory_space<vmem>>) target(%dma_start3A_425 : memref<96x128xf32, #tpu.memory_space<hbm>>) target_semaphore(%arg19 : memref<!tpu.dma_semaphore, #tpu.memory_space<semaphore_mem>>)
    }
    %scan3A_24 = arith.constant 64 : i32
    %add3A_25 = arith.constant 127 : i32
    %add3A_26 = arith.addi %mul3A_2, %add3A_25 : i32
    %mul3A_27 = arith.constant 200 : i32
    %mul3A_28 = arith.muli %add3A_26, %mul3A_27 : i32
    %add3A_29 = arith.constant 0 : i32
    %add3A_30 = arith.addi %mul3A_28, %add3A_29 : i32
    %dma_wait3A = arith.constant 0 : i32
    %dma_wait3A_31 = arith.constant 0 : i32
    %dma_wait3A_32 = tpu.memref_slice %arg10[%dma_wait3A, %dma_wait3A_31] : memref<104x128xf32, #tpu.memory_space<vmem>> -> memref<104x128xf32, #tpu.memory_space<vmem>>
    %dma_wait3A_33 = arith.constant 0 : i32
    %dma_wait3A_34 = tpu.memref_slice %arg5[%add3A_30, %dma_wait3A_33] : memref<819200x128xf32, #tpu.memory_space<hbm>> -> memref<104x128xf32, #tpu.memory_space<hbm>>
    %dma_wait3A_35 = arith.constant 0 : i32
    %dma_wait3A_36 = tpu.memref_slice %arg5[%add3A_30, %dma_wait3A_35] : memref<819200x128xf32, #tpu.memory_space<hbm>> -> memref<104x128xf32, #tpu.memory_space<hbm>>
    %dma_wait3A_37 = arith.constant 0 : i32
    %dma_wait3A_38 = arith.constant 0 : i32
    %dma_wait3A_39 = tpu.memref_slice %arg10[%dma_wait3A_37, %dma_wait3A_38] : memref<104x128xf32, #tpu.memory_space<vmem>> -> memref<104x128xf32, #tpu.memory_space<vmem>>
    tpu.wait_dma2 semaphore(%arg18 : memref<!tpu.dma_semaphore, #tpu.memory_space<semaphore_mem>>) src(%dma_wait3A_39 : memref<104x128xf32, #tpu.memory_space<vmem>>) dst(%dma_wait3A_36 : memref<104x128xf32, #tpu.memory_space<hbm>>)
    %add3A_40 = arith.constant 127 : i32
    %add3A_41 = arith.addi %mul3A_2, %add3A_40 : i32
    %mul3A_42 = arith.constant 200 : i32
    %mul3A_43 = arith.muli %add3A_41, %mul3A_42 : i32
    %add3A_44 = arith.constant 104 : i32
    %add3A_45 = arith.addi %mul3A_43, %add3A_44 : i32
    %dma_wait3A_46 = arith.constant 0 : i32
    %dma_wait3A_47 = arith.constant 0 : i32
    %dma_wait3A_48 = tpu.memref_slice %arg11[%dma_wait3A_46, %dma_wait3A_47] : memref<104x128xf32, #tpu.memory_space<vmem>> -> memref<96x128xf32, #tpu.memory_space<vmem>>
    %dma_wait3A_49 = arith.constant 0 : i32
    %dma_wait3A_50 = tpu.memref_slice %arg5[%add3A_45, %dma_wait3A_49] : memref<819200x128xf32, #tpu.memory_space<hbm>> -> memref<96x128xf32, #tpu.memory_space<hbm>>
    %dma_wait3A_51 = arith.constant 0 : i32
    %dma_wait3A_52 = tpu.memref_slice %arg5[%add3A_45, %dma_wait3A_51] : memref<819200x128xf32, #tpu.memory_space<hbm>> -> memref<96x128xf32, #tpu.memory_space<hbm>>
    %dma_wait3A_53 = arith.constant 0 : i32
    %dma_wait3A_54 = arith.constant 0 : i32
    %dma_wait3A_55 = tpu.memref_slice %arg11[%dma_wait3A_53, %dma_wait3A_54] : memref<104x128xf32, #tpu.memory_space<vmem>> -> memref<96x128xf32, #tpu.memory_space<vmem>>
    tpu.wait_dma2 semaphore(%arg19 : memref<!tpu.dma_semaphore, #tpu.memory_space<semaphore_mem>>) src(%dma_wait3A_55 : memref<96x128xf32, #tpu.memory_space<vmem>>) dst(%dma_wait3A_52 : memref<96x128xf32, #tpu.memory_space<hbm>>)
    return
  }
}

</mosaic_0001>

<sc_bundles>
// kernel: kernel.3.cloned.1.call-start
scs
__scs_entry_jumppad:
0x0: {  	(pc) =	sbr.rel $0x88, $3  }
0x1: {  	(tag) =	ssettag $0x0;
	lr =	simm.s32 $0x1  }
0x2: {  	[smem:$0x3F9E] =	sst lr;
	_ =	strace $0xD0000000  }
0x3: {  	_ = 	snop  }
0x4: {  	_ = 	snop  }
0x5: {  	_ = 	snop  }
0x6: {  	_ = 	snop  }
0x7: {  	_ = 	snop  }
__scs_overlays_trampoline_lowered:
0x8: {  	[smem:$0x3FAD] =	sst s0  }
0x9: {  	[smem:$0x3FAE] =	sst s1  }
0xa: {  	[smem:$0x3FAF] =	sst s2  }
0xb: {  	[smem:$0x3FB0] =	sst s3  }
0xc: {  	[smem:$0x3FB1] =	sst s4  }
0xd: {  	[smem:$0x3FB2] =	sst s5  }
0xe: {  	[smem:$0x3FB3] =	sst s6  }
0xf: {  	[smem:$0x3FB4] =	sst s7  }
0x10: {  	[smem:$0x3FB5] =	sst s8  }
0x11: {  	[smem:$0x3FB6] =	sst s9;
	s0 =	simm.s32 @!p0 $0x0  }
0x12: {  	s1 =	sld [smem:$0x3F9C];
	s0 =	simm.s32 @p0 $0x1  }
0x13: {  	[smem:$0x3FB7] =	sst s0;
	s0 =	simm.s32 @!p1 $0x0  }
0x14: {  	s2 =	sld [smem:$0x3F9B];
	s0 =	simm.s32 @p1 $0x1  }
0x15: {  	[smem:$0x3FB8] =	sst s0;
	s0 =	simm.s32 @!p2 $0x0  }
0x16: {  	s3 =	sld [smem:$0x3FDB];
	s0 =	simm.s32 @p2 $0x1  }
0x17: {  	s4 =	simm.s32 $0x1BF5;
	[smem:$0x3FBA] =	sst s0  }
0x18: {  	s0 =	sld [smem:$0x3F9D];
	_ =	swait.ge [sflag:s4], $0x0  }
0x19: {  	s7 =	sld [smem:$0x3F9E]  }
0x1a: {  	s8 =	sadd.s32 $0xFFFFE003, lr  }
0x1b: {  	s9 =	sadd.s32 $0xFFFFFEF7, lr;
	s5 =	simm.s32 $0xFFFFFFFF;
	p2 =	slt.u32 s8, $0xFFFFF086  }
0x1c: {  	p1 =	slt.u32 s9, $0xF7A;
	s5 =	simm.s32 @!p2 $0x0  }
0x1d: {  	s5 =	simm.s32 @p1 $0x1;
	p0 =	seq.s32 s7, s2  }
0x1e: {  	s7 =	smul.u32 @!p0 $0xF7A, s2;
	p2 =	seq.s32 @!p0 s5, $0x0  }
0x1f: {  	s9 =	smul.u32 $0xF7A, s1;
	s8 =	simm.s32 @!p0 $0x1BF5;
	p2 =	por !p2, p0  }
0x20: {  	[sflag:s8] =	ssyncset.s32 @!p0 $0xFFFFF086;
	s6 =	sadd.s32 @!p0 s3, s7;
	s7 =	simm.s32 @!p0 $0x108  }
0x21: {  	s3 =	sadd.s32 s3, s9;
	s6 =	sadd.s32 @!p0 $0x88, s6;
	s7 =	simm.s32 @p2 $0x1082  }
0x22: {  	[simem:s7], [sflag:s8] =	dma.local @!p0 [hbm:s6], $0xF7A  }
0x23: {  	s9 =	sor.u32 $0xD0000000, s2;
	s6 =	simm.s32 $0x108;
	_ =	swait.ge @!p0 [sflag:s8], $0x0  }
0x24: {  	s3 =	sadd.s32 $0x88, s3;
	s6 =	simm.s32 @!p1 $0x1082;
	[sflag:s4] =	ssyncset.s32 $0xFFFFF086  }
0x25: {  	[simem:s6], [sflag:s4] =	dma.local [hbm:s3], $0xF7A  }
0x26: {  	[smem:$0x3F9E] =	sst s1;
	(tag) =	ssettag s2;
	_ =	strace s9  }
0x27: {  	s1 =	sld [smem:$0x3FAE]  }
0x28: {  	s2 =	sld [smem:$0x3FAF]  }
0x29: {  	s4 =	sld [smem:$0x3FB1]  }
0x2a: {  	p0 =	seq.s32 s5, $0x0;
	s5 =	sld [smem:$0x3FB2]  }
0x2b: {  	s6 =	sld [smem:$0x3FB3]  }
0x2c: {  	s7 =	sld [smem:$0x3FB4]  }
0x2d: {  	s3 =	simm.s32 $0x108;
	s8 =	sld [smem:$0x3FB5]  }
0x2e: {  	s3 =	simm.s32 @!p0 $0x1082;
	s9 =	sld [smem:$0x3FB6]  }
0x2f: {  	lr =	sadd.s32 s0, s3;
	s0 =	sld [smem:$0x3FAD]  }
0x30: {  	s3 =	sld [smem:$0x3FB0]  }
0x31: {  	[smem:$0x3FB9] =	sst s10  }
0x32: {  	s10 =	sld [smem:$0x3FB7];
	_ =	sdelay $0x3  }
0x33: {  	p0 =	seq.s32 s10, $0x1;
	s10 =	sld [smem:$0x3FB9];
	_ =	sdelay $0x3  }
0x34: {  	[smem:$0x3FB9] =	sst s10  }
0x35: {  	s10 =	sld [smem:$0x3FB8];
	_ =	sdelay $0x3  }
0x36: {  	p1 =	seq.s32 s10, $0x1;
	s10 =	sld [smem:$0x3FB9];
	_ =	sdelay $0x3  }
0x37: {  	[smem:$0x3FB9] =	sst s10  }
0x38: {  	s10 =	sld [smem:$0x3FBA]  }
0x39: {  	_ = 	snop;
	(pc) =	sbr.ind lr, $3  }
0x3a: {  	_ = 	snop  }
0x3b: {  	_ = 	snop  }
0x3c: {  	p2 =	seq.s32 s10, $0x1;
	s10 =	sld [smem:$0x3FB9]  }
0x3d: {  	_ =	shalt  }
0x3e: {  	_ =	shalt  }
0x3f: {  	_ =	shalt  }
0x40: {  	_ =	shalt  }
0x41: {  	_ =	shalt  }
0x42: {  	_ =	shalt  }
0x43: {  	_ =	shalt  }
0x44: {  	_ =	shalt  }
0x45: {  	_ =	shalt  }
0x46: {  	_ =	shalt  }
0x47: {  	_ =	shalt  }
0x48: {  	_ =	shalt  }
0x49: {  	_ =	shalt  }
0x4a: {  	_ =	shalt  }
0x4b: {  	_ =	shalt  }
0x4c: {  	_ =	shalt  }
0x4d: {  	_ =	shalt  }
0x4e: {  	_ =	shalt  }
0x4f: {  	_ =	shalt  }
0x50: {  	_ =	shalt  }
0x51: {  	_ =	shalt  }
0x52: {  	_ =	shalt  }
0x53: {  	_ =	shalt  }
0x54: {  	_ =	shalt  }
0x55: {  	_ =	shalt  }
0x56: {  	_ =	shalt  }
0x57: {  	_ =	shalt  }
0x58: {  	_ =	shalt  }
0x59: {  	_ =	shalt  }
0x5a: {  	_ =	shalt  }
0x5b: {  	_ =	shalt  }
0x5c: {  	_ =	shalt  }
0x5d: {  	_ =	shalt  }
0x5e: {  	_ =	shalt  }
0x5f: {  	_ =	shalt  }
0x60: {  	_ =	shalt  }
0x61: {  	_ =	shalt  }
0x62: {  	_ =	shalt  }
0x63: {  	_ =	shalt  }
0x64: {  	_ =	shalt  }
0x65: {  	_ =	shalt  }
0x66: {  	_ =	shalt  }
0x67: {  	_ =	shalt  }
0x68: {  	_ =	shalt  }
0x69: {  	_ =	shalt  }
0x6a: {  	_ =	shalt  }
0x6b: {  	_ =	shalt  }
0x6c: {  	_ =	shalt  }
0x6d: {  	_ =	shalt  }
0x6e: {  	_ =	shalt  }
0x6f: {  	_ =	shalt  }
0x70: {  	_ =	shalt  }
0x71: {  	_ =	shalt  }
0x72: {  	_ =	shalt  }
0x73: {  	_ =	shalt  }
0x74: {  	_ =	shalt  }
0x75: {  	_ =	shalt  }
0x76: {  	_ =	shalt  }
0x77: {  	_ =	shalt  }
0x78: {  	_ =	shalt  }
0x79: {  	_ =	shalt  }
0x7a: {  	_ =	shalt  }
0x7b: {  	_ =	shalt  }
0x7c: {  	_ =	shalt  }
0x7d: {  	_ =	shalt  }
0x7e: {  	_ =	shalt  }
0x7f: {  	_ =	shalt  }
0x80: {  	_ =	shalt  }
0x81: {  	_ =	shalt  }
0x82: {  	_ =	shalt  }
0x83: {  	_ =	shalt  }
0x84: {  	_ =	shalt  }
0x85: {  	_ =	shalt  }
0x86: {  	_ =	shalt  }
0x87: {  	_ =	shalt  }
.Lfunc_end0:
.L_simem_size_0:
called_computation_lowered:
.L_overlay_start_0:
0x88: {  	s2 =	sld [smem:$0x3FD9]  }
0x89: {  	s3 =	sld [smem:$0x3FFE];
	_ =	sdelay $0x1  }
0x8a: {  	s1 =	srdreg.scid  }
0x8b: {  	s0 =	sand.u32 $0x1, s1  }
0x8c: {  	s17 =	sshll.u32 s0, $0xA;
	s2 =	sadd.s32 s3, s2  }
0x8d: {  	s2 =	sadd.s32 s2, s17  }
0x8e: {  	[smem:$0x3FC5] =	sst s2  }
0x8f: {  	_ = 	snop  }
0x90: {  	s2 =	sld [smem:$0x3FC8]  }
0x91: {  	s18 =	sld [smem:$0x3FC7]  }
0x92: {  	s4 =	sld [smem:$0x3FD0];
	(tm) =	ssettm $0x1  }
0x93: {  	s5 =	sld [smem:$0x3FFB];
	_ =	sdelay $0x3  }
0x94: {  	_ =	strace s5  }
0x95: {  	s5 =	sld [smem:$0x3FFC];
	_ =	sdelay $0x3  }
0x96: {  	_ =	strace s5  }
0x97: {  	s5 =	sld [smem:$0x3FFD];
	_ =	sdelay $0x3  }
0x98: {  	_ =	strace s5  }
0x99: {  	_ =	strace $0x8FFFFFFF  }
0x9a: {  	s19 =	sld [smem:$0x3FDB];
	_ =	sdelay $0x1  }
0x9b: {  	s6 =	simm.s32 $_scs_section_size  }
0x9c: {  	s7 =	simm.s32 $_size__tile_overlayer_lowered;
	s8 =	simm.s32 $_tile_overlayer_lowered  }
0x9d: {  	s22 =	simm.s32 $0x1BFF;
	s21 =	sshll.u32 s8, $0x1;
	s5 =	sadd.s32 s6, s19  }
0x9e: {  	s9 =	simm.s32 $0x0;
	s20 =	sshll.u32 s7, $0x1;
	s7 =	sadd.s32 s21, s5  }
0x9f: {  	[timem:s9], [sflag:s22] =	dma.local [hbm:s7], s20  }
0xa0: {  	_ =	swait.ge [sflag:s22], s20  }
0xa1: {  	s6 =	ssub.s32 $0x0, s20;
	[sflag:s22] =	ssyncset.done $0x0  }
0xa2: {  	[sflag:s22] =	ssyncadd.s32 s6;
	_ =	sdelay $0x1  }
0xa3: {  	s23 =	simm.s32 $0x1B8B  }
0xa4: {  	_ =	swait.ge [sflag:s23], $0x1  }
0xa5: {  	[sflag:s23] =	ssyncset.done $0x0  }
0xa6: {  	s25 =	simm.s32 $0x1B8E;
	s24 =	sld [smem:$0x3FFE];
	[sflag:s23] =	ssyncadd.s32 $0xFFFFFFFF  }
0xa7: {  	s26 =	simm.s32 $execute0_lowered;
	[smem:$0x3FD2] =	sst s25  }
0xa8: {  	s7 =	sshll.u32 s26, $0x1;
	_ =	strace $0x80000046;
	[dreg:$0x1] =	wrdreg $0xFFFFFFFF  }
0xa9: {  	s28 =	simm.s32 $_size_execute0_lowered;
	s5 =	sadd.s32 s5, s7;
	[dreg:$0x0] =	wrdreg $0x0  }
0xaa: {  	s7 =	sshll.u32 s28, $0x1;
	[dreg:$0x2] =	wrdreg s5  }
0xab: {  	[dreg:$0x3] =	wrdreg s7  }
0xac: {  	[dreg:$0x4] =	wrdreg $0xC0  }
0xad: {  	_ =	task [dreg:s9], $0x5FFFF  }
0xae: {  	[dreg:$0x1] =	wrdreg $0xFFFFFFFF  }
0xaf: {  	[dreg:$0x0] =	wrdreg $0x60  }
0xb0: {  	[dreg:$0x2] =	wrdreg s24  }
0xb1: {  	[dreg:$0x3] =	wrdreg s2  }
0xb2: {  	[dreg:$0x4] =	wrdreg s18  }
0xb3: {  	[dreg:$0x5] =	wrdreg s4  }
0xb4: {  	[dreg:$0x6] =	wrdreg $0x9  }
0xb5: {  	_ =	task.clear_ibuf [dreg:s9], $0x7FFFF;
	_ =	strace $0x90000046  }
0xb6: {  	s29 =	simm.s32 $0x9;
	_ =	strace $0x80000048  }
0xb7: {  	_ =	swait.ge [sflag:s29], $0x1  }
0xb8: {  	[sflag:s29] =	ssyncadd.s32 $0xFFFFFFFF  }
0xb9: {  	_ =	strace $0x90000048  }
0xba: {  	_ =	sfence  }
0xbb: {  	s30 =	sld [smem:$0x0];
	_ =	sdelay $0x2  }
0xbc: {  	s31 =	sshll.u32 s1, $0xD;
	s1 =	sshrl.u32 s1, $0x2  }
0xbd: {  	s3 =	sand.u32 $0x4000, s31;
	s1 =	sadd.s32 s1, s30  }
0xbe: {  	s0 =	sor.u32 s3, s0;
	s1 =	sshll.u32 s1, $0x11  }
0xbf: {  	s0 =	sor.u32 s1, s0  }
0xc0: {  	s0 =	sadd.s32 $0x8F2B, s0  }
0xc1: {  	[sflag:s0] =	ssyncadd.remote.s32 $0x1  }
0xc2: {  	_ =	sfence.sel $0xFFFF  }
0xc3: {  	[dreg:$0x0] =	wrdreg $0xFFFFFFFF;
	(pc) =	sbr.abs _section_cstart, $3  }
0xc4: {  	[dreg:$0x1] =	wrdreg $0xFFFFFFFF  }
0xc5: {  	_ =	task.clear_ibuf [dreg:s9], $0x2FFFF;
	_ =	strace $0x9FFFFFFF  }
0xc6: {  	(tm) =	ssettm $0x7FFFFFFF  }
0xc7: {  	_ =	shalt  }
tec
execute0_lowered:
.L_overlay_start_1:
0x0: {  	(tag) =	ssettag $0x1  }
0x1: {  	s0 =	rddreg [dreg:$0x0]  }
0x2: {  	s1 =	rddreg [dreg:$0x1]  }
0x3: {  	s2 =	srdreg.scid;
	s3 =	stileid.u32  }
0x4: {  	s4 =	rddreg [dreg:$0x3];
	s5 =	simm.s32 $0x0;
	s9 =	simm.s32 $0x9  }
0x5: {  	s10 =	simm.s32 $0x6400;
	s11 =	simm.s32 $0x68;
	s12 =	simm.s32 $0xC800  }
0x6: {  	s13 =	simm.s32 $0x60;
	s14 =	simm.s32 $0x6468;
	s15 =	simm.s32 $0xFC00  }
0x7: {  	s16 =	simm.s32 $0x13000;
	s17 =	simm.s32 $0x1;
	s18 =	simm.s32 $0x16400  }
0x8: {  	s19 =	simm.s32 $0x2;
	s20 =	simm.s32 $0x5;
	s21 =	simm.s32 $0x3  }
0x9: {  	s22 =	simm.s32 $0x6;
	s2 =	sand.u32 $0x1, s2;
	s3 =	sshll.u32 s3, $0x1  }
0xa: {  	s23 =	simm.s32 $0x4;
	s24 =	simm.s32 $0x7;
	s3 =	sor.u32 s2, s3  }
0xb: {  	s25 =	simm.s32 $0x8;
	s2 =	ssub.s32 $0x2, s2;
	s6 =	smul.u32 $0xC80, s3  }
0xc: {  	s26 =	simm.s32 $0x0;
	[smem:$0x7FF] =	sst s5;
	s7 =	sshrl.u32 s2, $0x1  }
0xd: {  	_ =	strace $0x80000047;
	s2 =	ssub.s32 s2, s7;
	s0 =	sadd.s32 s6, s0  }
0xe: {  	s6 =	sshll.u32 s3, $0x7;
	s8 =	smax.u32 s2, $0x1;
	s7 =	sadd.s32 $0x400, s0  }
.LBB2_1:
0xf: {  	s0 =	rddreg [dreg:$0x2]  }
0x10: {  	[tilespmem:s5], [sflag:$0x9] =	stream.linear.gather [hbm4b:s0+s5], $0x6400, $0x38;
	[tilespmem:$0x19800] =	vst v63  }
0x11: {  	_ =	swait.ge [sflag:s9], $0x6400  }
0x12: {  	[sflag:s9] =	ssyncset.done $0x0  }
0x13: {  	[sflag:s9] =	ssyncadd.s32 $0xFFFF9C00  }
0x14: {  	[tilespmem:s10], [sflag:$0x9] =	stream.linear.gather [hbm4b:s7+s5], $0x6400, $0x38;
	[tilespmem:$0x19800] =	vst v63  }
0x15: {  	_ =	swait.ge [sflag:s9], $0x6400  }
0x16: {  	[sflag:s9] =	ssyncset.done $0x0  }
0x17: {  	[sflag:s9] =	ssyncadd.s32 $0xFFFF9C00  }
0x18: {  	[tilespmem:s12], [sflag:$0x1] =	stream.indirect.gather [hbm4b:s1+s11], $0x80, s10, s11, $0xb8;
	[tilespmem:$0x19800] =	vst v63  }
0x19: {  	s28 =	simm.s32 $0x0  }
0x1a: {  	[tilespmem:s15], [sflag:$0x2] =	stream.indirect.gather [hbm4b:s1+s13], $0x80, s14, s13, $0xb8;
	[tilespmem:$0x19800] =	vst v63  }
.LBB2_2:
0x1b: {  	p0 =	seq.s32 s28, $0x0;
	s29 =	sshllo.u32 s28, $0x1  }
0x1c: {  	s0 =	simm.s32 @!p0 $0x7;
	s2 =	smul.u32 $0x320, s29  }
0x1d: {  	_ =	swait.ge @!p0 [sflag:s0], $0x3400  }
0x1e: {  	[sflag:s0] =	ssyncset.done @!p0 $0x0;
	s31 =	sshra.s32 s2, $0x2  }
0x1f: {  	[sflag:s0] =	ssyncadd.s32 @!p0 $0xFFFFCC00;
	s3 =	sadd.s32 $0x6400, s31  }
0x20: {  	[tilespmem:s16], [sflag:$0x3] =	stream.indirect.gather [hbm4b:s1+s11], $0x80, s3, s11, $0xb8;
	[tilespmem:$0x19800] =	vst v63  }
0x21: {  	_ =	swait.ge [sflag:s17], $0x3400  }
0x22: {  	s30 =	sshll.u32 s28, $0x2;
	s2 =	sshll.u32 s28, $0x1;
	[sflag:s17] =	ssyncset.done $0x0  }
0x23: {  	s0 =	simm.s32 $0x0;
	s3 =	simm.s32 $0x200;
	[sflag:s17] =	ssyncadd.s32 $0xFFFFCC00  }
.LBB2_3:
0x24: {  	p1 =	sne.s32 s3, $0xCE00;
	v0 =	vld [tilespmem:s0+$0x70]  }
0x25: {  	v1 =	vld [tilespmem:s0+$0x0]  }
0x26: {  	v2 =	vld [tilespmem:s0+$0x10]  }
0x27: {  	v3 =	vld [tilespmem:s0+$0x20]  }
0x28: {  	v4 =	vld [tilespmem:s0+$0x30]  }
0x29: {  	[tilespmem:s0+$0xC870] =	vst.add.f32.msk $0xffff, v0  }
0x2a: {  	v0 =	vld [tilespmem:s0+$0x40]  }
0x2b: {  	v5 =	vld [tilespmem:s0+$0x50]  }
0x2c: {  	v6 =	vld [tilespmem:s0+$0x60]  }
0x2d: {  	[tilespmem:s0+$0xC800] =	vst.add.f32.msk $0xffff, v1  }
0x2e: {  	[tilespmem:s0+$0xC810] =	vst.add.f32.msk $0xffff, v2  }
.Ltmp0:
0x2f: {  	[tilespmem:s0+$0xC820] =	vst.add.f32.msk $0xffff, v3;
	(pc) =	sbr.rel @p1 .LBB2_3-.Ltmp0, $4  }
0x30: {  	[tilespmem:s0+$0xC830] =	vst.add.f32.msk $0xffff, v4  }
0x31: {  	[tilespmem:s0+$0xC840] =	vst.add.f32.msk $0xffff, v0  }
0x32: {  	[tilespmem:s0+$0xC850] =	vst.add.f32.msk $0xffff, v5  }
0x33: {  	[tilespmem:s0+$0xC860] =	vst.add.f32.msk $0xffff, v6;
	s0 =	sshra.s32 s3, $0x2;
	s3 =	sadd.s32 $0x200, s3  }
0x34: {  	v0 =	vld [tilespmem:s0+$0x70]  }
0x35: {  	v1 =	vld [tilespmem:s0+$0x0]  }
0x36: {  	v2 =	vld [tilespmem:s0+$0x10]  }
0x37: {  	v3 =	vld [tilespmem:s0+$0x20]  }
0x38: {  	v4 =	vld [tilespmem:s0+$0x30]  }
0x39: {  	v63 =	vld [tilespmem:s0+$0x40]  }
0x3a: {  	v5 =	vld [tilespmem:s0+$0x50]  }
0x3b: {  	v6 =	vld [tilespmem:s0+$0x60]  }
0x3c: {  	[tilespmem:s0+$0xC870] =	vst.add.f32.msk $0xffff, v0  }
0x3d: {  	[tilespmem:s0+$0xC800] =	vst.add.f32.msk $0xffff, v1  }
0x3e: {  	[tilespmem:s0+$0xC810] =	vst.add.f32.msk $0xffff, v2  }
0x3f: {  	[tilespmem:s0+$0xC820] =	vst.add.f32.msk $0xffff, v3  }
0x40: {  	s2 =	sadd.s32 s6, s2;
	[tilespmem:s0+$0xC830] =	vst.add.f32.msk $0xffff, v4  }
0x41: {  	s3 =	smul.u32 $0xC80, s2;
	[tilespmem:s0+$0xC840] =	vst.add.f32.msk $0xffff, v63  }
0x42: {  	[tilespmem:s0+$0xC850] =	vst.add.f32.msk $0xffff, v5  }
0x43: {  	s3 =	sadd.s32 s4, s3;
	[tilespmem:s0+$0xC860] =	vst.add.f32.msk $0xffff, v6;
	s0 =	simm.s32 @!p0 $0x8  }
0x44: {  	[hbm4b:s3+s5] =	stream.linear.scatter [tilespmem:s12], [sflag:$0x5], $0x3400, $0x38;
	[tilespmem:$0x19800] =	vst v63  }
0x45: {  	_ =	swait.ge @!p0 [sflag:s0], $0x3000  }
0x46: {  	[sflag:s0] =	ssyncset.done @!p0 $0x0  }
0x47: {  	s3 =	sadd.s32 $0x6468, s31;
	[sflag:s0] =	ssyncadd.s32 @!p0 $0xFFFFD000  }
0x48: {  	[tilespmem:s18], [sflag:$0x4] =	stream.indirect.gather [hbm4b:s1+s13], $0x80, s3, s13, $0xb8;
	[tilespmem:$0x19800] =	vst v63  }
0x49: {  	_ =	swait.ge [sflag:s19], $0x3000  }
0x4a: {  	[sflag:s19] =	ssyncset.done $0x0  }
0x4b: {  	s31 =	simm.s32 $0x0;
	s0 =	simm.s32 $0x200;
	[sflag:s19] =	ssyncadd.s32 $0xFFFFD000  }
.LBB2_5:
0x4c: {  	p0 =	sne.s32 s0, $0xBE00;
	v0 =	vld [tilespmem:s31+$0x3470]  }
0x4d: {  	v1 =	vld [tilespmem:s31+$0x3400]  }
0x4e: {  	v2 =	vld [tilespmem:s31+$0x3410]  }
0x4f: {  	v3 =	vld [tilespmem:s31+$0x3420]  }
0x50: {  	v4 =	vld [tilespmem:s31+$0x3430]  }
0x51: {  	[tilespmem:s31+$0xFC70] =	vst.add.f32.msk $0xffff, v0  }
0x52: {  	v0 =	vld [tilespmem:s31+$0x3440]  }
0x53: {  	v5 =	vld [tilespmem:s31+$0x3450]  }
0x54: {  	v6 =	vld [tilespmem:s31+$0x3460]  }
0x55: {  	[tilespmem:s31+$0xFC00] =	vst.add.f32.msk $0xffff, v1  }
0x56: {  	[tilespmem:s31+$0xFC10] =	vst.add.f32.msk $0xffff, v2  }
.Ltmp1:
0x57: {  	[tilespmem:s31+$0xFC20] =	vst.add.f32.msk $0xffff, v3;
	(pc) =	sbr.rel @p0 .LBB2_5-.Ltmp1, $4  }
0x58: {  	[tilespmem:s31+$0xFC30] =	vst.add.f32.msk $0xffff, v4  }
0x59: {  	[tilespmem:s31+$0xFC40] =	vst.add.f32.msk $0xffff, v0  }
0x5a: {  	[tilespmem:s31+$0xFC50] =	vst.add.f32.msk $0xffff, v5  }
0x5b: {  	[tilespmem:s31+$0xFC60] =	vst.add.f32.msk $0xffff, v6;
	s31 =	sshra.s32 s0, $0x2;
	s0 =	sadd.s32 $0x200, s0  }
0x5c: {  	v0 =	vld [tilespmem:s31+$0x3470]  }
0x5d: {  	v1 =	vld [tilespmem:s31+$0x3400]  }
0x5e: {  	v2 =	vld [tilespmem:s31+$0x3410]  }
0x5f: {  	v3 =	vld [tilespmem:s31+$0x3420]  }
0x60: {  	v4 =	vld [tilespmem:s31+$0x3430]  }
0x61: {  	v63 =	vld [tilespmem:s31+$0x3440]  }
0x62: {  	v5 =	vld [tilespmem:s31+$0x3450]  }
0x63: {  	v6 =	vld [tilespmem:s31+$0x3460]  }
0x64: {  	[tilespmem:s31+$0xFC70] =	vst.add.f32.msk $0xffff, v0  }
0x65: {  	[tilespmem:s31+$0xFC00] =	vst.add.f32.msk $0xffff, v1  }
0x66: {  	[tilespmem:s31+$0xFC10] =	vst.add.f32.msk $0xffff, v2  }
0x67: {  	s0 =	smul.u32 $0x6400, s2;
	[tilespmem:s31+$0xFC20] =	vst.add.f32.msk $0xffff, v3  }
0x68: {  	[tilespmem:s31+$0xFC30] =	vst.add.f32.msk $0xffff, v4  }
0x69: {  	s0 =	sshrl.u32 s0, $0x3;
	[tilespmem:s31+$0xFC40] =	vst.add.f32.msk $0xffff, v63  }
0x6a: {  	s0 =	sadd.s32 s4, s0;
	[tilespmem:s31+$0xFC50] =	vst.add.f32.msk $0xffff, v5  }
0x6b: {  	p0 =	seq.s32 s28, $0x3F;
	s0 =	sadd.s32 $0x680, s0;
	[tilespmem:s31+$0xFC60] =	vst.add.f32.msk $0xffff, v6  }
0x6c: {  	[hbm4b:s0+s5] =	stream.linear.scatter [tilespmem:s15], [sflag:$0x6], $0x3000, $0x38;
	[tilespmem:$0x19800] =	vst v63  }
0x6d: {  	s0 =	sshrl.u32 @!p0 s30, $0x1  }
0x6e: {  	s0 =	smul.u32 @!p0 $0x320, s0;
	_ =	sdelay $0x1  }
0x6f: {  	_ =	swait.ge [sflag:s20], $0x3400;
	s0 =	sadd.s32 @!p0 $0x640, s0  }
0x70: {  	s2 =	simm.s32 @!p0 $0x68;
	[sflag:s20] =	ssyncset.done $0x0;
	s30 =	sshra.s32 @!p0 s0, $0x2  }
0x71: {  	s3 =	simm.s32 @!p0 $0xC800;
	[sflag:s20] =	ssyncadd.s32 $0xFFFFCC00;
	s0 =	sadd.s32 @!p0 $0x6400, s30  }
0x72: {  	[tilespmem:s3], [sflag:$0x1] =	stream.indirect.gather @!p0 [hbm4b:s1+s2], $0x80, s0, s2, $0xb8;
	[tilespmem:$0x19800] =	vst v63  }
0x73: {  	_ =	swait.ge [sflag:s21], $0x3400  }
0x74: {  	[sflag:s21] =	ssyncset.done $0x0  }
0x75: {  	s0 =	simm.s32 $0x0;
	s2 =	simm.s32 $0x200;
	[sflag:s21] =	ssyncadd.s32 $0xFFFFCC00  }
.LBB2_7:
0x76: {  	p1 =	sne.s32 s2, $0xCE00;
	v0 =	vld [tilespmem:s0+$0x70]  }
0x77: {  	v1 =	vld [tilespmem:s0+$0x0]  }
0x78: {  	v2 =	vld [tilespmem:s0+$0x10]  }
0x79: {  	v3 =	vld [tilespmem:s0+$0x20]  }
0x7a: {  	v4 =	vld [tilespmem:s0+$0x30]  }
0x7b: {  	[tilespmem:s0+$0x13070] =	vst.add.f32.msk $0xffff, v0  }
0x7c: {  	v0 =	vld [tilespmem:s0+$0x40]  }
0x7d: {  	v5 =	vld [tilespmem:s0+$0x50]  }
0x7e: {  	v6 =	vld [tilespmem:s0+$0x60]  }
0x7f: {  	[tilespmem:s0+$0x13000] =	vst.add.f32.msk $0xffff, v1  }
0x80: {  	[tilespmem:s0+$0x13010] =	vst.add.f32.msk $0xffff, v2  }
.Ltmp2:
0x81: {  	[tilespmem:s0+$0x13020] =	vst.add.f32.msk $0xffff, v3;
	(pc) =	sbr.rel @p1 .LBB2_7-.Ltmp2, $4  }
0x82: {  	[tilespmem:s0+$0x13030] =	vst.add.f32.msk $0xffff, v4  }
0x83: {  	[tilespmem:s0+$0x13040] =	vst.add.f32.msk $0xffff, v0  }
0x84: {  	[tilespmem:s0+$0x13050] =	vst.add.f32.msk $0xffff, v5  }
0x85: {  	[tilespmem:s0+$0x13060] =	vst.add.f32.msk $0xffff, v6;
	s0 =	sshra.s32 s2, $0x2;
	s2 =	sadd.s32 $0x200, s2  }
0x86: {  	v0 =	vld [tilespmem:s0+$0x70]  }
0x87: {  	v1 =	vld [tilespmem:s0+$0x0]  }
0x88: {  	v2 =	vld [tilespmem:s0+$0x10]  }
0x89: {  	v3 =	vld [tilespmem:s0+$0x20]  }
0x8a: {  	v4 =	vld [tilespmem:s0+$0x30]  }
0x8b: {  	v63 =	vld [tilespmem:s0+$0x40]  }
0x8c: {  	v5 =	vld [tilespmem:s0+$0x50]  }
0x8d: {  	v6 =	vld [tilespmem:s0+$0x60]  }
0x8e: {  	[tilespmem:s0+$0x13070] =	vst.add.f32.msk $0xffff, v0  }
0x8f: {  	[tilespmem:s0+$0x13000] =	vst.add.f32.msk $0xffff, v1  }
0x90: {  	[tilespmem:s0+$0x13010] =	vst.add.f32.msk $0xffff, v2  }
0x91: {  	[tilespmem:s0+$0x13020] =	vst.add.f32.msk $0xffff, v3  }
0x92: {  	s29 =	sadd.s32 s6, s29;
	[tilespmem:s0+$0x13030] =	vst.add.f32.msk $0xffff, v4  }
0x93: {  	s2 =	smul.u32 $0xC80, s29;
	[tilespmem:s0+$0x13040] =	vst.add.f32.msk $0xffff, v63  }
0x94: {  	[tilespmem:s0+$0x13050] =	vst.add.f32.msk $0xffff, v5  }
0x95: {  	s31 =	sadd.s32 s4, s2;
	[tilespmem:s0+$0x13060] =	vst.add.f32.msk $0xffff, v6  }
0x96: {  	[hbm4b:s31+s5] =	stream.linear.scatter [tilespmem:s16], [sflag:$0x7], $0x3400, $0x38;
	[tilespmem:$0x19800] =	vst v63  }
0x97: {  	_ =	swait.ge [sflag:s22], $0x3000  }
0x98: {  	s3 =	simm.s32 @!p0 $0xFC00;
	[sflag:s22] =	ssyncset.done $0x0  }
0x99: {  	s2 =	simm.s32 @!p0 $0x60;
	s0 =	sadd.s32 @!p0 $0x6468, s30;
	[sflag:s22] =	ssyncadd.s32 $0xFFFFD000  }
0x9a: {  	[tilespmem:s3], [sflag:$0x2] =	stream.indirect.gather @!p0 [hbm4b:s1+s2], $0x80, s0, s2, $0xb8;
	[tilespmem:$0x19800] =	vst v63  }
0x9b: {  	_ =	swait.ge [sflag:s23], $0x3000  }
0x9c: {  	[sflag:s23] =	ssyncset.done $0x0  }
0x9d: {  	s2 =	simm.s32 $0x0;
	s0 =	simm.s32 $0x200;
	[sflag:s23] =	ssyncadd.s32 $0xFFFFD000  }
.LBB2_9:
0x9e: {  	p0 =	sne.s32 s0, $0xBE00;
	v0 =	vld [tilespmem:s2+$0x3470]  }
0x9f: {  	v1 =	vld [tilespmem:s2+$0x3400]  }
0xa0: {  	v2 =	vld [tilespmem:s2+$0x3410]  }
0xa1: {  	v3 =	vld [tilespmem:s2+$0x3420]  }
0xa2: {  	v4 =	vld [tilespmem:s2+$0x3430]  }
0xa3: {  	[tilespmem:s2+$0x16470] =	vst.add.f32.msk $0xffff, v0  }
0xa4: {  	v0 =	vld [tilespmem:s2+$0x3440]  }
0xa5: {  	v5 =	vld [tilespmem:s2+$0x3450]  }
0xa6: {  	v6 =	vld [tilespmem:s2+$0x3460]  }
0xa7: {  	[tilespmem:s2+$0x16400] =	vst.add.f32.msk $0xffff, v1  }
0xa8: {  	[tilespmem:s2+$0x16410] =	vst.add.f32.msk $0xffff, v2  }
.Ltmp3:
0xa9: {  	[tilespmem:s2+$0x16420] =	vst.add.f32.msk $0xffff, v3;
	(pc) =	sbr.rel @p0 .LBB2_9-.Ltmp3, $4  }
0xaa: {  	[tilespmem:s2+$0x16430] =	vst.add.f32.msk $0xffff, v4  }
0xab: {  	[tilespmem:s2+$0x16440] =	vst.add.f32.msk $0xffff, v0  }
0xac: {  	[tilespmem:s2+$0x16450] =	vst.add.f32.msk $0xffff, v5  }
0xad: {  	[tilespmem:s2+$0x16460] =	vst.add.f32.msk $0xffff, v6;
	s2 =	sshra.s32 s0, $0x2;
	s0 =	sadd.s32 $0x200, s0  }
0xae: {  	v0 =	vld [tilespmem:s2+$0x3470]  }
0xaf: {  	v1 =	vld [tilespmem:s2+$0x3400]  }
0xb0: {  	v2 =	vld [tilespmem:s2+$0x3410]  }
0xb1: {  	v3 =	vld [tilespmem:s2+$0x3420]  }
0xb2: {  	v4 =	vld [tilespmem:s2+$0x3430]  }
0xb3: {  	v63 =	vld [tilespmem:s2+$0x3440]  }
0xb4: {  	v5 =	vld [tilespmem:s2+$0x3450]  }
0xb5: {  	v6 =	vld [tilespmem:s2+$0x3460]  }
0xb6: {  	[tilespmem:s2+$0x16470] =	vst.add.f32.msk $0xffff, v0  }
0xb7: {  	[tilespmem:s2+$0x16400] =	vst.add.f32.msk $0xffff, v1  }
0xb8: {  	s28 =	sadd.s32 $0x1, s28;
	[tilespmem:s2+$0x16410] =	vst.add.f32.msk $0xffff, v2  }
0xb9: {  	s0 =	smul.u32 $0x6400, s29;
	p0 =	sne.s32 s28, $0x40;
	[tilespmem:s2+$0x16420] =	vst.add.f32.msk $0xffff, v3  }
.Ltmp4:
0xba: {  	[tilespmem:s2+$0x16430] =	vst.add.f32.msk $0xffff, v4;
	(pc) =	sbr.rel @p0 .LBB2_2-.Ltmp4, $4  }
0xbb: {  	s0 =	sshrl.u32 s0, $0x3;
	[tilespmem:s2+$0x16440] =	vst.add.f32.msk $0xffff, v63  }
0xbc: {  	s0 =	sadd.s32 s4, s0;
	[tilespmem:s2+$0x16450] =	vst.add.f32.msk $0xffff, v5  }
0xbd: {  	s0 =	sadd.s32 $0x680, s0;
	[tilespmem:s2+$0x16460] =	vst.add.f32.msk $0xffff, v6  }
0xbe: {  	[hbm4b:s0+s5] =	stream.linear.scatter [tilespmem:s18], [sflag:$0x8], $0x3000, $0x38;
	[tilespmem:$0x19800] =	vst v63  }
0xbf: {  	s26 =	sadd.s32 $0x1, s26  }
0xc0: {  	_ =	swait.ge [sflag:s24], $0x3400;
	p0 =	sne.s32 s26, s8  }
.Ltmp5:
0xc1: {  	[sflag:s24] =	ssyncset.done $0x0;
	(pc) =	sbr.rel @p0 .LBB2_1-.Ltmp5, $4  }
0xc2: {  	[sflag:s24] =	ssyncadd.s32 $0xFFFFCC00  }
0xc3: {  	_ =	swait.ge [sflag:s25], $0x3000  }
0xc4: {  	[sflag:s25] =	ssyncset.done $0x0  }
0xc5: {  	[sflag:s25] =	ssyncadd.s32 $0xFFFFD000  }
0xc6: {  	_ =	sfence.sel $0x180000  }
0xc7: {  	[bflag:$0x0] =	sbarrier.arrive $0xFFFF  }
0xc8: {  	_ =	strace $0x90000047  }
0xc9: {  	s0 =	stileid.u32;
	[bflag:$0x2] =	sbarrier.arrive $0xFFFF  }
0xca: {  	p0 =	sne.s32 s0, $0x0;
	s0 =	rddreg [dreg:$0x4]  }
0xcb: {  	s0 =	sadd.s32 @!p0 $0x100000, s0  }
0xcc: {  	[sflag:s0] =	ssyncadd.tile.s32 @!p0 $0x1;
	_ =	shalt  }
.Lfunc_end2:
_tile_overlayer_lowered:
.L_overlay_start_2:
0xcd: {  	(tag) =	ssettag $0x2  }
0xce: {  	s0 =	rddreg [dreg:$0x0];
	s2 =	stileid.u32  }
0xcf: {  	s1 =	rddreg [dreg:$0x1];
	p0 =	sne.s32 s2, $0x0  }
0xd0: {  	s3 =	rddreg [dreg:$0x2];
	[bflag:$0x3] =	sbarrier.arrive $0xFFFF;
	s2 =	simm.s32 @!p0 $0x1C09  }
0xd1: {  	[timem:s3], [sflag:s2] =	dma.local @!p0 [hbm:s0], s1  }
0xd2: {  	s0 =	simm.s32 @!p0 $0x9  }
0xd3: {  	_ =	swait.ge @!p0 [sflag:s0], s1  }
0xd4: {  	s1 =	ssub.s32 @!p0 $0x0, s1;
	[sflag:s0] =	ssyncset.done @!p0 $0x0  }
0xd5: {  	[sflag:s0] =	ssyncadd.s32 @!p0 s1  }
0xd6: {  	[bflag:$0x3] =	sbarrier.arrive $0xFFFF  }
0xd7: {  	_ =	shalt  }

</sc_bundles>
